<compile_context>
chip_gen: v7x
topology: tpu7x:2x2x1
jax: 0.10.2.dev20260603
libtpu: 0.0.44.dev20260713+nightly
codegen_flags: <defaults>
</compile_context>

<pallas_src>
import functools

import jax
import jax.numpy as jnp
from jax import lax
from jax.experimental import pallas as pl
from jax.experimental.pallas import tpu as pltpu
from jax.experimental.pallas import tpu_sc as plsc

N = 10000
E = 320000
D = 128
H = 128
C = 16
T = 24

NC = 2
NS = 16
NW = NC * NS
CH1, CHUNK1 = 79, 128
CH2, CHUNK2 = 80, 128
NA1 = 10240
NA2 = 10016
NT = N + 4096
W1 = 144
W2 = 16
BLK = 1000


def _sc_pass(w):
    wide = w > 64
    if wide:
        ch, chunk, n_acc = CH1, CHUNK1, NA1
    else:
        ch, chunk, n_acc = CH2, CHUNK2, NA2
        nbr, la = 4, 2
    rpt = n_acc // NS
    mesh = plsc.VectorSubcoreMesh(core_axis_name="c", subcore_axis_name="s")

    if wide:
        scratch = [
            pltpu.VMEM((ch, chunk), jnp.int32),
            pltpu.VMEM((ch, chunk), jnp.int32),
            pltpu.VMEM((chunk, w), jnp.float32),
            pltpu.VMEM_SHARED((n_acc, w), jnp.float32),
            pltpu.SemaphoreType.DMA,
        ]
    else:
        scratch = [
            pltpu.VMEM((ch, chunk), jnp.int32),
            pltpu.VMEM((ch, chunk), jnp.int32),
            pltpu.VMEM((nbr, chunk, w), jnp.float32),
            pltpu.VMEM_SHARED((n_acc, w), jnp.float32),
            pltpu.SemaphoreType.DMA((nbr,)),
            pltpu.SemaphoreType.DMA((nbr,)),
        ]

    @functools.partial(
        pl.kernel,
        mesh=mesh,
        compiler_params=pltpu.CompilerParams(use_tc_tiling_on_sc=False),
        out_type=jax.ShapeDtypeStruct((NC, n_acc, w), jnp.float32),
        scratch_types=scratch,
    )
    def pass_kernel(tbl_hbm, src_hbm, dst_hbm, zeros_hbm, out_hbm,
                    src_v, dst_v, rows_v, acc, *sems):
        c = lax.axis_index("c")
        s = lax.axis_index("s")
        wid = c * NS + s
        pltpu.sync_copy(zeros_hbm, acc.at[pl.ds(s * rpt, rpt)])
        pltpu.sync_copy(src_hbm.at[wid], src_v)
        pltpu.sync_copy(dst_hbm.at[wid], dst_v)

        if wide:
            (sem,) = sems
            plsc.subcore_barrier()

            def body(j, carry):
                pltpu.async_copy(tbl_hbm.at[src_v.at[j]], rows_v, sem).wait()
                pltpu.sync_copy(rows_v, acc.at[dst_v.at[j]], add=True)
                return carry

            lax.fori_loop(0, ch, body, 0)
        else:
            sem_g, sem_s = sems

            def gather_start(k, br):
                pltpu.async_copy(tbl_hbm.at[src_v.at[k]], rows_v.at[br],
                                 sem_g.at[br])

            def gather_wait(k, br):
                pltpu.make_async_copy(tbl_hbm.at[src_v.at[k]],
                                      rows_v.at[br], sem_g.at[br]).wait()

            def scatter_start(k, br):
                pltpu.async_copy(rows_v.at[br], acc.at[dst_v.at[k]],
                                 sem_s.at[br], add=True)

            def scatter_wait(br):
                pltpu.make_async_copy(rows_v.at[br], acc.at[dst_v.at[0]],
                                      sem_s.at[br]).wait()

            for k in range(la):
                gather_start(k, k % nbr)
            plsc.subcore_barrier()

            def body(g, carry):
                for u in range(nbr):
                    k = g * nbr + u
                    gather_wait(k, u)
                    scatter_start(k, u)
                    k2 = k + la
                    br2 = (u + la) % nbr

                    @pl.when(k2 < ch)
                    def _():
                        @pl.when(k2 >= nbr)
                        def _():
                            scatter_wait(br2)
                        gather_start(k2, br2)
                return carry

            lax.fori_loop(0, ch // nbr, body, 0)
            for b in range(nbr):
                scatter_wait(b)

        plsc.subcore_barrier()
        pltpu.sync_copy(acc.at[pl.ds(s * rpt, rpt)],
                        out_hbm.at[c].at[pl.ds(s * rpt, rpt)])

    return pass_kernel


_sc_pass = functools.lru_cache(maxsize=None)(_sc_pass)


def _k1_body(feats_ref, ct_ref, emb_ref, w1s_ref, w1n_ref, b1_ref,
             tbl_ref, xw1s_ref):
    ct = ct_ref[...]
    tt = lax.broadcasted_iota(jnp.int32, (BLK, T), 1)
    onehot = (ct == tt).astype(jnp.float32)
    w = jnp.dot(onehot, emb_ref[...], preferred_element_type=jnp.float32)
    x = feats_ref[...] * jax.nn.sigmoid(w)
    xw1n = jnp.dot(x, w1n_ref[...], preferred_element_type=jnp.float32)
    tbl_ref[:, pl.ds(0, D)] = xw1n
    tbl_ref[:, pl.ds(D, W1 - D)] = jnp.ones((BLK, W1 - D), jnp.float32)
    xw1s_ref[...] = (
        jnp.dot(x, w1s_ref[...], preferred_element_type=jnp.float32)
        + b1_ref[...]
    )


def _k2_body(a0_ref, a1_ref, xw1s_ref, w2s_ref, w2n_ref, b2_ref,
             tbl2_ref, hw2s_ref, inv_ref):
    a = a0_ref[...] + a1_ref[...]
    cnt = a[:, D:D + 1]
    inv = 1.0 / jnp.maximum(cnt, 1.0)
    h = jax.nn.relu(xw1s_ref[...] + a[:, :D] * inv)
    tbl2_ref[...] = jnp.dot(h, w2n_ref[...], preferred_element_type=jnp.float32)
    hw2s_ref[...] = (
        jnp.dot(h, w2s_ref[...], preferred_element_type=jnp.float32)
        + b2_ref[...]
    )
    inv_ref[...] = jnp.broadcast_to(inv, (BLK, C))


def _k3_body(s0_ref, s1_ref, hw2s_ref, inv_ref, out_ref):
    out_ref[...] = hw2s_ref[...] + (s0_ref[...] + s1_ref[...]) * inv_ref[...]


def _full(shape):
    return pl.BlockSpec(shape, lambda i: (0, 0))


def _rows(width):
    return pl.BlockSpec((BLK, width), lambda i: (i, 0))


def kernel(feats, cell_type_ids, edge_index, emb, W1_self, W1_neigh, b1,
           W2_self, W2_neigh, b2):
    grid = (N // BLK,)
    ct2d = cell_type_ids.astype(jnp.int32).reshape(N, 1)

    tbl1, xw1s = pl.pallas_call(
        _k1_body,
        grid=grid,
        in_specs=[
            _rows(D), pl.BlockSpec((BLK, 1), lambda i: (i, 0)),
            _full((T, D)), _full((D, H)), _full((D, H)), _full((1, H)),
        ],
        out_specs=[_rows(W1), _rows(H)],
        out_shape=[
            jax.ShapeDtypeStruct((N, W1), jnp.float32),
            jax.ShapeDtypeStruct((N, H), jnp.float32),
        ],
    )(feats, ct2d, emb, W1_self, W1_neigh, b1.reshape(1, H))

    src = edge_index[0].astype(jnp.int32)
    dst = edge_index[1].astype(jnp.int32)

    def edge_layout(ch, chunk):
        pad = NW * ch * chunk - E
        pad_src = N + (jnp.arange(pad, dtype=jnp.int32) % (NT - N))
        pad_dst = jnp.arange(pad, dtype=jnp.int32) % N
        srcp = jnp.concatenate([src, pad_src]).reshape(NW, ch, chunk)
        dstp = jnp.concatenate([dst, pad_dst]).reshape(NW, ch, chunk)
        return srcp, dstp

    srcp1, dstp1 = edge_layout(CH1, CHUNK1)
    srcp2, dstp2 = edge_layout(CH2, CHUNK2)

    tbl1_full = jnp.concatenate(
        [tbl1, jnp.zeros((NT - N, W1), jnp.float32)], axis=0)
    acc1 = _sc_pass(W1)(tbl1_full, srcp1, dstp1,
                        jnp.zeros((NA1 // NS, W1), jnp.float32))

    tbl2, hw2s, inv16 = pl.pallas_call(
        _k2_body,
        grid=grid,
        in_specs=[
            _rows(W1), _rows(W1), _rows(H),
            _full((H, C)), _full((H, C)), _full((1, C)),
        ],
        out_specs=[_rows(C), _rows(C), _rows(C)],
        out_shape=[
            jax.ShapeDtypeStruct((N, C), jnp.float32),
            jax.ShapeDtypeStruct((N, C), jnp.float32),
            jax.ShapeDtypeStruct((N, C), jnp.float32),
        ],
    )(acc1[0, :N], acc1[1, :N], xw1s, W2_self, W2_neigh, b2.reshape(1, C))

    tbl2_full = jnp.concatenate(
        [tbl2, jnp.zeros((NT - N, W2), jnp.float32)], axis=0)
    acc2 = _sc_pass(W2)(tbl2_full, srcp2, dstp2,
                        jnp.zeros((NA2 // NS, W2), jnp.float32))

    out = pl.pallas_call(
        _k3_body,
        grid=grid,
        in_specs=[_rows(C), _rows(C), _rows(C), _rows(C)],
        out_specs=_rows(C),
        out_shape=jax.ShapeDtypeStruct((N, C), jnp.float32),
    )(acc2[0, :N], acc2[1, :N], hw2s, inv16)

    return out

# --- scband reference (transcript-rebuilt; emitter-appended) ---
"""Pipeline reference for scband-model-29171417874946 (READ-ONLY COPY).

The authoritative reference and input builder live on the scoring server;
editing this copy changes nothing except your own understanding.
"""

import jax, jax.numpy as jnp
import numpy as np

N = 10000
E = 320000
D = 128   # in_feats
H = 128   # h_feats
C = 16    # num_classes
T = 24    # num_cell_types


def setup_inputs(seed: int = 0) -> dict:
    key = jax.random.key(seed)
    ks = jax.random.split(key, 12)
    feats = jax.random.normal(ks[0], (N, D), dtype=jnp.float32)
    cell_type_ids = jax.random.randint(ks[1], (N,), 0, T, dtype=jnp.int64 if jax.config.jax_enable_x64 else jnp.int32)
    edge_index = jax.random.randint(ks[2], (2, E), 0, N, dtype=jnp.int64 if jax.config.jax_enable_x64 else jnp.int32)
    emb = jax.random.normal(ks[3], (T, D), dtype=jnp.float32) * 0.1
    W1_self = jax.random.normal(ks[4], (D, H), dtype=jnp.float32) * (1.0 / np.sqrt(D))
    W1_neigh = jax.random.normal(ks[5], (D, H), dtype=jnp.float32) * (1.0 / np.sqrt(D))
    b1 = jnp.zeros((H,), dtype=jnp.float32)
    W2_self = jax.random.normal(ks[6], (H, C), dtype=jnp.float32) * (1.0 / np.sqrt(H))
    W2_neigh = jax.random.normal(ks[7], (H, C), dtype=jnp.float32) * (1.0 / np.sqrt(H))
    b2 = jnp.zeros((C,), dtype=jnp.float32)
    return {
        "feats": feats,
        "cell_type_ids": cell_type_ids,
        "edge_index": edge_index,
        "emb": emb,
        "W1_self": W1_self,
        "W1_neigh": W1_neigh,
        "b1": b1,
        "W2_self": W2_self,
        "W2_neigh": W2_neigh,
        "b2": b2,
    }


def _sage_mean(x, edge_index, W_self, W_neigh, b, num_nodes):
    # DGL SAGEConv with aggregator_type='mean':
    #   h_neigh = mean over incoming-edge src features
    #   out = h_dst @ W_self + h_neigh @ W_neigh + b
    src = edge_index[0]
    dst = edge_index[1]
    msg = jnp.take(x, src, axis=0)                      # gather [E, d]
    summed = jax.ops.segment_sum(msg, dst, num_segments=num_nodes)
    cnt = jax.ops.segment_sum(jnp.ones((msg.shape[0],), dtype=x.dtype), dst, num_segments=num_nodes)
    mean = summed / jnp.maximum(cnt, 1.0)[:, None]
    return x @ W_self + mean @ W_neigh + b


def reference(feats, cell_type_ids, edge_index, emb, W1_self, W1_neigh, b1, W2_self, W2_neigh, b2):
    # cell-type gating: x = feats * sigmoid(Embedding(cell_type_ids))
    w = jnp.take(emb, cell_type_ids, axis=0)            # [N, D]
    x = feats * jax.nn.sigmoid(w)
    # dropout is identity in eval mode
    h = _sage_mean(x, edge_index, W1_self, W1_neigh, b1, N)
    h = jax.nn.relu(h)
    h = _sage_mean(h, edge_index, W2_self, W2_neigh, b2, N)
    return h

if __name__ == "__main__":
    import jax
    _d = setup_inputs()
    print(jax.jit(kernel)(*tuple(_d.values())))

</pallas_src>

<mosaic_0001>
#map = affine_map<(d0, d1) -> (0, 0)>
#map1 = affine_map<(d0, d1) -> (0, 0, 0)>
module attributes {stable_mosaic.version = 14 : i64} {
  func.func @pass_kernel(%arg0: i32, %arg1: i32, %arg2: memref<14096x144xf32, #tpu.memory_space<hbm>>, %arg3: memref<32x79x128xi32, #tpu.memory_space<hbm>>, %arg4: memref<32x79x128xi32, #tpu.memory_space<hbm>>, %arg5: memref<640x144xf32, #tpu.memory_space<hbm>>, %arg6: memref<2x10240x144xf32, #tpu.memory_space<hbm>>, %arg7: memref<79x128xi32, #tpu.memory_space<vmem>>, %arg8: memref<79x128xi32, #tpu.memory_space<vmem>>, %arg9: memref<128x144xf32, #tpu.memory_space<vmem>>, %arg10: memref<10240x144xf32, #tpu.memory_space<vmem_shared>>, %arg11: memref<!tpu.dma_semaphore, #tpu.memory_space<semaphore_mem>>) attributes {dimension_semantics = [#tpu.dimension_semantics<core_parallel>, #tpu.dimension_semantics<subcore_parallel>], iteration_bounds = array<i64: 2, 16>, scalar_prefetch = 0 : i64, scratch_operands = 5 : i64, tpu.core_type = #tpu.core_type<sc_vector_subcore>, window_params = [{transform_indices = #map}, {transform_indices = #map1}, {transform_indices = #map1}, {transform_indices = #map}, {transform_indices = #map1}]} {
    %mul3A = arith.constant 16 : i32
    %mul3A_0 = arith.muli %arg0, %mul3A : i32
    %add3A = arith.addi %mul3A_0, %arg1 : i32
    %mul3A_1 = arith.constant 640 : i32
    %mul3A_2 = arith.muli %arg1, %mul3A_1 : i32
    "tpu.region"() ({
      %run_scoped3A = tpu.sem_alloc : memref<!tpu.dma_semaphore, #tpu.memory_space<semaphore_mem>>
      %dma_start3A = arith.constant 0 : i32
      %dma_start3A_13 = tpu.memref_slice %arg10[%mul3A_2, %dma_start3A] : memref<10240x144xf32, #tpu.memory_space<vmem_shared>> -> memref<640x144xf32, #tpu.memory_space<vmem_shared>>
      tpu.enqueue_dma source(%arg5 : memref<640x144xf32, #tpu.memory_space<hbm>>) target(%dma_start3A_13 : memref<640x144xf32, #tpu.memory_space<vmem_shared>>) target_semaphore(%run_scoped3A : memref<!tpu.dma_semaphore, #tpu.memory_space<semaphore_mem>>)
      %dma_wait3A = arith.constant 0 : i32
      %dma_wait3A_14 = tpu.memref_slice %arg10[%mul3A_2, %dma_wait3A] : memref<10240x144xf32, #tpu.memory_space<vmem_shared>> -> memref<640x144xf32, #tpu.memory_space<vmem_shared>>
      tpu.wait_dma2 semaphore(%run_scoped3A : memref<!tpu.dma_semaphore, #tpu.memory_space<semaphore_mem>>) src(%arg5 : memref<640x144xf32, #tpu.memory_space<hbm>>) dst(%dma_wait3A_14 : memref<640x144xf32, #tpu.memory_space<vmem_shared>>)
      tpu.yield
    }) : () -> ()
    "tpu.region"() ({
      %run_scoped3A = tpu.sem_alloc : memref<!tpu.dma_semaphore, #tpu.memory_space<semaphore_mem>>
      %dma_start3A = arith.constant 0 : i32
      %dma_start3A_13 = arith.constant 0 : i32
      %dma_start3A_14 = tpu.memref_slice %arg3[%add3A, %dma_start3A, %dma_start3A_13] : memref<32x79x128xi32, #tpu.memory_space<hbm>> -> memref<1x79x128xi32, #tpu.memory_space<hbm>>
      %dma_start3A_15 = tpu.memref_squeeze %dma_start3A_14 : memref<1x79x128xi32, #tpu.memory_space<hbm>> -> memref<79x128xi32, #tpu.memory_space<hbm>>
      %dma_start3A_16 = arith.constant 0 : i32
      %dma_start3A_17 = arith.constant 0 : i32
      %dma_start3A_18 = tpu.memref_slice %arg3[%add3A, %dma_start3A_16, %dma_start3A_17] : memref<32x79x128xi32, #tpu.memory_space<hbm>> -> memref<1x79x128xi32, #tpu.memory_space<hbm>>
      %dma_start3A_19 = tpu.memref_squeeze %dma_start3A_18 : memref<1x79x128xi32, #tpu.memory_space<hbm>> -> memref<79x128xi32, #tpu.memory_space<hbm>>
      tpu.enqueue_dma source(%dma_start3A_19 : memref<79x128xi32, #tpu.memory_space<hbm>>) target(%arg7 : memref<79x128xi32, #tpu.memory_space<vmem>>) target_semaphore(%run_scoped3A : memref<!tpu.dma_semaphore, #tpu.memory_space<semaphore_mem>>)
      %dma_wait3A = arith.constant 0 : i32
      %dma_wait3A_20 = arith.constant 0 : i32
      %dma_wait3A_21 = tpu.memref_slice %arg3[%add3A, %dma_wait3A, %dma_wait3A_20] : memref<32x79x128xi32, #tpu.memory_space<hbm>> -> memref<1x79x128xi32, #tpu.memory_space<hbm>>
      %dma_wait3A_22 = tpu.memref_squeeze %dma_wait3A_21 : memref<1x79x128xi32, #tpu.memory_space<hbm>> -> memref<79x128xi32, #tpu.memory_space<hbm>>
      %dma_wait3A_23 = arith.constant 0 : i32
      %dma_wait3A_24 = arith.constant 0 : i32
      %dma_wait3A_25 = tpu.memref_slice %arg3[%add3A, %dma_wait3A_23, %dma_wait3A_24] : memref<32x79x128xi32, #tpu.memory_space<hbm>> -> memref<1x79x128xi32, #tpu.memory_space<hbm>>
      %dma_wait3A_26 = tpu.memref_squeeze %dma_wait3A_25 : memref<1x79x128xi32, #tpu.memory_space<hbm>> -> memref<79x128xi32, #tpu.memory_space<hbm>>
      tpu.wait_dma2 semaphore(%run_scoped3A : memref<!tpu.dma_semaphore, #tpu.memory_space<semaphore_mem>>) src(%dma_wait3A_26 : memref<79x128xi32, #tpu.memory_space<hbm>>) dst(%arg7 : memref<79x128xi32, #tpu.memory_space<vmem>>)
      tpu.yield
    }) : () -> ()
    "tpu.region"() ({
      %run_scoped3A = tpu.sem_alloc : memref<!tpu.dma_semaphore, #tpu.memory_space<semaphore_mem>>
      %dma_start3A = arith.constant 0 : i32
      %dma_start3A_13 = arith.constant 0 : i32
      %dma_start3A_14 = tpu.memref_slice %arg4[%add3A, %dma_start3A, %dma_start3A_13] : memref<32x79x128xi32, #tpu.memory_space<hbm>> -> memref<1x79x128xi32, #tpu.memory_space<hbm>>
      %dma_start3A_15 = tpu.memref_squeeze %dma_start3A_14 : memref<1x79x128xi32, #tpu.memory_space<hbm>> -> memref<79x128xi32, #tpu.memory_space<hbm>>
      %dma_start3A_16 = arith.constant 0 : i32
      %dma_start3A_17 = arith.constant 0 : i32
      %dma_start3A_18 = tpu.memref_slice %arg4[%add3A, %dma_start3A_16, %dma_start3A_17] : memref<32x79x128xi32, #tpu.memory_space<hbm>> -> memref<1x79x128xi32, #tpu.memory_space<hbm>>
      %dma_start3A_19 = tpu.memref_squeeze %dma_start3A_18 : memref<1x79x128xi32, #tpu.memory_space<hbm>> -> memref<79x128xi32, #tpu.memory_space<hbm>>
      tpu.enqueue_dma source(%dma_start3A_19 : memref<79x128xi32, #tpu.memory_space<hbm>>) target(%arg8 : memref<79x128xi32, #tpu.memory_space<vmem>>) target_semaphore(%run_scoped3A : memref<!tpu.dma_semaphore, #tpu.memory_space<semaphore_mem>>)
      %dma_wait3A = arith.constant 0 : i32
      %dma_wait3A_20 = arith.constant 0 : i32
      %dma_wait3A_21 = tpu.memref_slice %arg4[%add3A, %dma_wait3A, %dma_wait3A_20] : memref<32x79x128xi32, #tpu.memory_space<hbm>> -> memref<1x79x128xi32, #tpu.memory_space<hbm>>
      %dma_wait3A_22 = tpu.memref_squeeze %dma_wait3A_21 : memref<1x79x128xi32, #tpu.memory_space<hbm>> -> memref<79x128xi32, #tpu.memory_space<hbm>>
      %dma_wait3A_23 = arith.constant 0 : i32
      %dma_wait3A_24 = arith.constant 0 : i32
      %dma_wait3A_25 = tpu.memref_slice %arg4[%add3A, %dma_wait3A_23, %dma_wait3A_24] : memref<32x79x128xi32, #tpu.memory_space<hbm>> -> memref<1x79x128xi32, #tpu.memory_space<hbm>>
      %dma_wait3A_26 = tpu.memref_squeeze %dma_wait3A_25 : memref<1x79x128xi32, #tpu.memory_space<hbm>> -> memref<79x128xi32, #tpu.memory_space<hbm>>
      tpu.wait_dma2 semaphore(%run_scoped3A : memref<!tpu.dma_semaphore, #tpu.memory_space<semaphore_mem>>) src(%dma_wait3A_26 : memref<79x128xi32, #tpu.memory_space<hbm>>) dst(%arg8 : memref<79x128xi32, #tpu.memory_space<vmem>>)
      tpu.yield
    }) : () -> ()
    %barrier3A = arith.constant 0 : index
    tpu.barrier barrier_id(%barrier3A)
    %scan3A = arith.constant 0 : i32
    %scan3A_3 = arith.constant 0 : i32
    %scan3A_4 = arith.constant 79 : i32
    %scan3A_5 = arith.addi %scan3A_3, %scan3A_4 : i32
    %scan3A_6 = arith.constant 1 : i32
    scf.for %scan3A_13 = %scan3A_3 to %scan3A_5 step %scan3A_6  : i32 {
      %dma_start3A = arith.constant 0 : i32
      %dma_start3A_14 = tpu.memref_slice %arg7[%scan3A_13, %dma_start3A] : memref<79x128xi32, #tpu.memory_space<vmem>> -> memref<1x128xi32, #tpu.memory_space<vmem>>
      %dma_start3A_15 = tpu.memref_squeeze %dma_start3A_14 : memref<1x128xi32, #tpu.memory_space<vmem>> -> memref<128xi32, #tpu.memory_space<vmem>>
      %dma_start3A_16 = arith.constant 0 : i32
      %dma_start3A_17 = arith.constant 0 : i32
      %dma_start3A_18 = tpu.memref_slice %arg2[%dma_start3A_16, %dma_start3A_17] : memref<14096x144xf32, #tpu.memory_space<hbm>> -> memref<14096x144xf32, #tpu.memory_space<hbm>>
      tpu.enqueue_indirect_dma source(%dma_start3A_18 : memref<14096x144xf32, #tpu.memory_space<hbm>>) target(%arg9 : memref<128x144xf32, #tpu.memory_space<vmem>>) offsets(%dma_start3A_15 : memref<128xi32, #tpu.memory_space<vmem>>) semaphore(%arg11 : memref<!tpu.dma_semaphore, #tpu.memory_space<semaphore_mem>>)
      %dma_wait3A = arith.constant 0 : i32
      %dma_wait3A_19 = tpu.memref_slice %arg7[%scan3A_13, %dma_wait3A] : memref<79x128xi32, #tpu.memory_space<vmem>> -> memref<1x128xi32, #tpu.memory_space<vmem>>
      %dma_wait3A_20 = tpu.memref_squeeze %dma_wait3A_19 : memref<1x128xi32, #tpu.memory_space<vmem>> -> memref<128xi32, #tpu.memory_space<vmem>>
      %dma_wait3A_21 = arith.constant 0 : i32
      %dma_wait3A_22 = arith.constant 0 : i32
      %dma_wait3A_23 = tpu.memref_slice %arg2[%dma_wait3A_21, %dma_wait3A_22] : memref<14096x144xf32, #tpu.memory_space<hbm>> -> memref<14096x144xf32, #tpu.memory_space<hbm>>
      tpu.wait_indirect_dma semaphore(%arg11 : memref<!tpu.dma_semaphore, #tpu.memory_space<semaphore_mem>>) src(%dma_wait3A_23 : memref<14096x144xf32, #tpu.memory_space<hbm>>) dst(%arg9 : memref<128x144xf32, #tpu.memory_space<vmem>>)
      "tpu.region"() ({
        %run_scoped3A = tpu.sem_alloc : memref<!tpu.dma_semaphore, #tpu.memory_space<semaphore_mem>>
        %dma_start3A_24 = arith.constant 0 : i32
        %dma_start3A_25 = tpu.memref_slice %arg8[%scan3A_13, %dma_start3A_24] : memref<79x128xi32, #tpu.memory_space<vmem>> -> memref<1x128xi32, #tpu.memory_space<vmem>>
        %dma_start3A_26 = tpu.memref_squeeze %dma_start3A_25 : memref<1x128xi32, #tpu.memory_space<vmem>> -> memref<128xi32, #tpu.memory_space<vmem>>
        %dma_start3A_27 = arith.constant 0 : i32
        %dma_start3A_28 = arith.constant 0 : i32
        %dma_start3A_29 = tpu.memref_slice %arg10[%dma_start3A_27, %dma_start3A_28] : memref<10240x144xf32, #tpu.memory_space<vmem_shared>> -> memref<10240x144xf32, #tpu.memory_space<vmem_shared>>
        tpu.enqueue_indirect_dma source(%arg9 : memref<128x144xf32, #tpu.memory_space<vmem>>) target(%dma_start3A_29 : memref<10240x144xf32, #tpu.memory_space<vmem_shared>>) offsets(%dma_start3A_26 : memref<128xi32, #tpu.memory_space<vmem>>) semaphore(%run_scoped3A : memref<!tpu.dma_semaphore, #tpu.memory_space<semaphore_mem>>) {add = true}
        %dma_wait3A_30 = arith.constant 0 : i32
        %dma_wait3A_31 = tpu.memref_slice %arg8[%scan3A_13, %dma_wait3A_30] : memref<79x128xi32, #tpu.memory_space<vmem>> -> memref<1x128xi32, #tpu.memory_space<vmem>>
        %dma_wait3A_32 = tpu.memref_squeeze %dma_wait3A_31 : memref<1x128xi32, #tpu.memory_space<vmem>> -> memref<128xi32, #tpu.memory_space<vmem>>
        %dma_wait3A_33 = arith.constant 0 : i32
        %dma_wait3A_34 = arith.constant 0 : i32
        %dma_wait3A_35 = tpu.memref_slice %arg10[%dma_wait3A_33, %dma_wait3A_34] : memref<10240x144xf32, #tpu.memory_space<vmem_shared>> -> memref<10240x144xf32, #tpu.memory_space<vmem_shared>>
        tpu.wait_indirect_dma semaphore(%run_scoped3A : memref<!tpu.dma_semaphore, #tpu.memory_space<semaphore_mem>>) src(%arg9 : memref<128x144xf32, #tpu.memory_space<vmem>>) dst(%dma_wait3A_35 : memref<10240x144xf32, #tpu.memory_space<vmem_shared>>)
        tpu.yield
      }) : () -> ()
    }
    %scan3A_7 = arith.constant 79 : i32
    %barrier3A_8 = arith.constant 0 : index
    tpu.barrier barrier_id(%barrier3A_8)
    %mul3A_9 = arith.constant 640 : i32
    %mul3A_10 = arith.muli %arg1, %mul3A_9 : i32
    %mul3A_11 = arith.constant 640 : i32
    %mul3A_12 = arith.muli %arg1, %mul3A_11 : i32
    "tpu.region"() ({
      %run_scoped3A = tpu.sem_alloc : memref<!tpu.dma_semaphore, #tpu.memory_space<semaphore_mem>>
      %dma_start3A = arith.constant 0 : i32
      %dma_start3A_13 = arith.constant 0 : i32
      %dma_start3A_14 = tpu.memref_slice %arg6[%arg0, %dma_start3A, %dma_start3A_13] : memref<2x10240x144xf32, #tpu.memory_space<hbm>> -> memref<1x10240x144xf32, #tpu.memory_space<hbm>>
      %dma_start3A_15 = tpu.memref_squeeze %dma_start3A_14 : memref<1x10240x144xf32, #tpu.memory_space<hbm>> -> memref<10240x144xf32, #tpu.memory_space<hbm>>
      %dma_start3A_16 = arith.constant 0 : i32
      %dma_start3A_17 = tpu.memref_slice %dma_start3A_15[%mul3A_12, %dma_start3A_16] : memref<10240x144xf32, #tpu.memory_space<hbm>> -> memref<640x144xf32, #tpu.memory_space<hbm>>
      %dma_start3A_18 = arith.constant 0 : i32
      %dma_start3A_19 = tpu.memref_slice %arg10[%mul3A_10, %dma_start3A_18] : memref<10240x144xf32, #tpu.memory_space<vmem_shared>> -> memref<640x144xf32, #tpu.memory_space<vmem_shared>>
      tpu.enqueue_dma source(%dma_start3A_19 : memref<640x144xf32, #tpu.memory_space<vmem_shared>>) target(%dma_start3A_17 : memref<640x144xf32, #tpu.memory_space<hbm>>) target_semaphore(%run_scoped3A : memref<!tpu.dma_semaphore, #tpu.memory_space<semaphore_mem>>)
      %dma_wait3A = arith.constant 0 : i32
      %dma_wait3A_20 = arith.constant 0 : i32
      %dma_wait3A_21 = tpu.memref_slice %arg6[%arg0, %dma_wait3A, %dma_wait3A_20] : memref<2x10240x144xf32, #tpu.memory_space<hbm>> -> memref<1x10240x144xf32, #tpu.memory_space<hbm>>
      %dma_wait3A_22 = tpu.memref_squeeze %dma_wait3A_21 : memref<1x10240x144xf32, #tpu.memory_space<hbm>> -> memref<10240x144xf32, #tpu.memory_space<hbm>>
      %dma_wait3A_23 = arith.constant 0 : i32
      %dma_wait3A_24 = tpu.memref_slice %dma_wait3A_22[%mul3A_12, %dma_wait3A_23] : memref<10240x144xf32, #tpu.memory_space<hbm>> -> memref<640x144xf32, #tpu.memory_space<hbm>>
      %dma_wait3A_25 = arith.constant 0 : i32
      %dma_wait3A_26 = tpu.memref_slice %arg10[%mul3A_10, %dma_wait3A_25] : memref<10240x144xf32, #tpu.memory_space<vmem_shared>> -> memref<640x144xf32, #tpu.memory_space<vmem_shared>>
      tpu.wait_dma2 semaphore(%run_scoped3A : memref<!tpu.dma_semaphore, #tpu.memory_space<semaphore_mem>>) src(%dma_wait3A_26 : memref<640x144xf32, #tpu.memory_space<vmem_shared>>) dst(%dma_wait3A_24 : memref<640x144xf32, #tpu.memory_space<hbm>>)
      tpu.yield
    }) : () -> ()
    return
  }
}

#map = affine_map<(d0, d1) -> (0, 0)>
#map1 = affine_map<(d0, d1) -> (0, 0, 0)>
module attributes {stable_mosaic.version = 14 : i64} {
  func.func @pass_kernel(%arg0: i32, %arg1: i32, %arg2: memref<14096x16xf32, #tpu.memory_space<hbm>>, %arg3: memref<32x80x128xi32, #tpu.memory_space<hbm>>, %arg4: memref<32x80x128xi32, #tpu.memory_space<hbm>>, %arg5: memref<626x16xf32, #tpu.memory_space<hbm>>, %arg6: memref<2x10016x16xf32, #tpu.memory_space<hbm>>, %arg7: memref<80x128xi32, #tpu.memory_space<vmem>>, %arg8: memref<80x128xi32, #tpu.memory_space<vmem>>, %arg9: memref<4x128x16xf32, #tpu.memory_space<vmem>>, %arg10: memref<10016x16xf32, #tpu.memory_space<vmem_shared>>, %arg11: memref<4x!tpu.dma_semaphore, #tpu.memory_space<semaphore_mem>>, %arg12: memref<4x!tpu.dma_semaphore, #tpu.memory_space<semaphore_mem>>) attributes {dimension_semantics = [#tpu.dimension_semantics<core_parallel>, #tpu.dimension_semantics<subcore_parallel>], iteration_bounds = array<i64: 2, 16>, scalar_prefetch = 0 : i64, scratch_operands = 6 : i64, tpu.core_type = #tpu.core_type<sc_vector_subcore>, window_params = [{transform_indices = #map}, {transform_indices = #map1}, {transform_indices = #map1}, {transform_indices = #map}, {transform_indices = #map1}]} {
    %mul3A = arith.constant 16 : i32
    %mul3A_0 = arith.muli %arg0, %mul3A : i32
    %add3A = arith.addi %mul3A_0, %arg1 : i32
    %mul3A_1 = arith.constant 626 : i32
    %mul3A_2 = arith.muli %arg1, %mul3A_1 : i32
    "tpu.region"() ({
      %run_scoped3A = tpu.sem_alloc : memref<!tpu.dma_semaphore, #tpu.memory_space<semaphore_mem>>
      %dma_start3A_101 = arith.constant 0 : i32
      %dma_start3A_102 = tpu.memref_slice %arg10[%mul3A_2, %dma_start3A_101] : memref<10016x16xf32, #tpu.memory_space<vmem_shared>> -> memref<626x16xf32, #tpu.memory_space<vmem_shared>>
      tpu.enqueue_dma source(%arg5 : memref<626x16xf32, #tpu.memory_space<hbm>>) target(%dma_start3A_102 : memref<626x16xf32, #tpu.memory_space<vmem_shared>>) target_semaphore(%run_scoped3A : memref<!tpu.dma_semaphore, #tpu.memory_space<semaphore_mem>>)
      %dma_wait3A_103 = arith.constant 0 : i32
      %dma_wait3A_104 = tpu.memref_slice %arg10[%mul3A_2, %dma_wait3A_103] : memref<10016x16xf32, #tpu.memory_space<vmem_shared>> -> memref<626x16xf32, #tpu.memory_space<vmem_shared>>
      tpu.wait_dma2 semaphore(%run_scoped3A : memref<!tpu.dma_semaphore, #tpu.memory_space<semaphore_mem>>) src(%arg5 : memref<626x16xf32, #tpu.memory_space<hbm>>) dst(%dma_wait3A_104 : memref<626x16xf32, #tpu.memory_space<vmem_shared>>)
      tpu.yield
    }) : () -> ()
    "tpu.region"() ({
      %run_scoped3A = tpu.sem_alloc : memref<!tpu.dma_semaphore, #tpu.memory_space<semaphore_mem>>
      %dma_start3A_101 = arith.constant 0 : i32
      %dma_start3A_102 = arith.constant 0 : i32
      %dma_start3A_103 = tpu.memref_slice %arg3[%add3A, %dma_start3A_101, %dma_start3A_102] : memref<32x80x128xi32, #tpu.memory_space<hbm>> -> memref<1x80x128xi32, #tpu.memory_space<hbm>>
      %dma_start3A_104 = tpu.memref_squeeze %dma_start3A_103 : memref<1x80x128xi32, #tpu.memory_space<hbm>> -> memref<80x128xi32, #tpu.memory_space<hbm>>
      %dma_start3A_105 = arith.constant 0 : i32
      %dma_start3A_106 = arith.constant 0 : i32
      %dma_start3A_107 = tpu.memref_slice %arg3[%add3A, %dma_start3A_105, %dma_start3A_106] : memref<32x80x128xi32, #tpu.memory_space<hbm>> -> memref<1x80x128xi32, #tpu.memory_space<hbm>>
      %dma_start3A_108 = tpu.memref_squeeze %dma_start3A_107 : memref<1x80x128xi32, #tpu.memory_space<hbm>> -> memref<80x128xi32, #tpu.memory_space<hbm>>
      tpu.enqueue_dma source(%dma_start3A_108 : memref<80x128xi32, #tpu.memory_space<hbm>>) target(%arg7 : memref<80x128xi32, #tpu.memory_space<vmem>>) target_semaphore(%run_scoped3A : memref<!tpu.dma_semaphore, #tpu.memory_space<semaphore_mem>>)
      %dma_wait3A_109 = arith.constant 0 : i32
      %dma_wait3A_110 = arith.constant 0 : i32
      %dma_wait3A_111 = tpu.memref_slice %arg3[%add3A, %dma_wait3A_109, %dma_wait3A_110] : memref<32x80x128xi32, #tpu.memory_space<hbm>> -> memref<1x80x128xi32, #tpu.memory_space<hbm>>
      %dma_wait3A_112 = tpu.memref_squeeze %dma_wait3A_111 : memref<1x80x128xi32, #tpu.memory_space<hbm>> -> memref<80x128xi32, #tpu.memory_space<hbm>>
      %dma_wait3A_113 = arith.constant 0 : i32
      %dma_wait3A_114 = arith.constant 0 : i32
      %dma_wait3A_115 = tpu.memref_slice %arg3[%add3A, %dma_wait3A_113, %dma_wait3A_114] : memref<32x80x128xi32, #tpu.memory_space<hbm>> -> memref<1x80x128xi32, #tpu.memory_space<hbm>>
      %dma_wait3A_116 = tpu.memref_squeeze %dma_wait3A_115 : memref<1x80x128xi32, #tpu.memory_space<hbm>> -> memref<80x128xi32, #tpu.memory_space<hbm>>
      tpu.wait_dma2 semaphore(%run_scoped3A : memref<!tpu.dma_semaphore, #tpu.memory_space<semaphore_mem>>) src(%dma_wait3A_116 : memref<80x128xi32, #tpu.memory_space<hbm>>) dst(%arg7 : memref<80x128xi32, #tpu.memory_space<vmem>>)
      tpu.yield
    }) : () -> ()
    "tpu.region"() ({
      %run_scoped3A = tpu.sem_alloc : memref<!tpu.dma_semaphore, #tpu.memory_space<semaphore_mem>>
      %dma_start3A_101 = arith.constant 0 : i32
      %dma_start3A_102 = arith.constant 0 : i32
      %dma_start3A_103 = tpu.memref_slice %arg4[%add3A, %dma_start3A_101, %dma_start3A_102] : memref<32x80x128xi32, #tpu.memory_space<hbm>> -> memref<1x80x128xi32, #tpu.memory_space<hbm>>
      %dma_start3A_104 = tpu.memref_squeeze %dma_start3A_103 : memref<1x80x128xi32, #tpu.memory_space<hbm>> -> memref<80x128xi32, #tpu.memory_space<hbm>>
      %dma_start3A_105 = arith.constant 0 : i32
      %dma_start3A_106 = arith.constant 0 : i32
      %dma_start3A_107 = tpu.memref_slice %arg4[%add3A, %dma_start3A_105, %dma_start3A_106] : memref<32x80x128xi32, #tpu.memory_space<hbm>> -> memref<1x80x128xi32, #tpu.memory_space<hbm>>
      %dma_start3A_108 = tpu.memref_squeeze %dma_start3A_107 : memref<1x80x128xi32, #tpu.memory_space<hbm>> -> memref<80x128xi32, #tpu.memory_space<hbm>>
      tpu.enqueue_dma source(%dma_start3A_108 : memref<80x128xi32, #tpu.memory_space<hbm>>) target(%arg8 : memref<80x128xi32, #tpu.memory_space<vmem>>) target_semaphore(%run_scoped3A : memref<!tpu.dma_semaphore, #tpu.memory_space<semaphore_mem>>)
      %dma_wait3A_109 = arith.constant 0 : i32
      %dma_wait3A_110 = arith.constant 0 : i32
      %dma_wait3A_111 = tpu.memref_slice %arg4[%add3A, %dma_wait3A_109, %dma_wait3A_110] : memref<32x80x128xi32, #tpu.memory_space<hbm>> -> memref<1x80x128xi32, #tpu.memory_space<hbm>>
      %dma_wait3A_112 = tpu.memref_squeeze %dma_wait3A_111 : memref<1x80x128xi32, #tpu.memory_space<hbm>> -> memref<80x128xi32, #tpu.memory_space<hbm>>
      %dma_wait3A_113 = arith.constant 0 : i32
      %dma_wait3A_114 = arith.constant 0 : i32
      %dma_wait3A_115 = tpu.memref_slice %arg4[%add3A, %dma_wait3A_113, %dma_wait3A_114] : memref<32x80x128xi32, #tpu.memory_space<hbm>> -> memref<1x80x128xi32, #tpu.memory_space<hbm>>
      %dma_wait3A_116 = tpu.memref_squeeze %dma_wait3A_115 : memref<1x80x128xi32, #tpu.memory_space<hbm>> -> memref<80x128xi32, #tpu.memory_space<hbm>>
      tpu.wait_dma2 semaphore(%run_scoped3A : memref<!tpu.dma_semaphore, #tpu.memory_space<semaphore_mem>>) src(%dma_wait3A_116 : memref<80x128xi32, #tpu.memory_space<hbm>>) dst(%arg8 : memref<80x128xi32, #tpu.memory_space<vmem>>)
      tpu.yield
    }) : () -> ()
    %dma_start3A = arith.constant 0 : i32
    %dma_start3A_3 = arith.constant 0 : i32
    %dma_start3A_4 = arith.constant 0 : i32
    %dma_start3A_5 = arith.constant 0 : i32
    %dma_start3A_6 = arith.constant 0 : i32
    %dma_start3A_7 = tpu.memref_slice %arg9[%dma_start3A_3, %dma_start3A_5, %dma_start3A_6] : memref<4x128x16xf32, #tpu.memory_space<vmem>> -> memref<1x128x16xf32, #tpu.memory_space<vmem>>
    %dma_start3A_8 = tpu.memref_squeeze %dma_start3A_7 : memref<1x128x16xf32, #tpu.memory_space<vmem>> -> memref<128x16xf32, #tpu.memory_space<vmem>>
    %dma_start3A_9 = arith.constant 0 : i32
    %dma_start3A_10 = tpu.memref_slice %arg7[%dma_start3A, %dma_start3A_9] : memref<80x128xi32, #tpu.memory_space<vmem>> -> memref<1x128xi32, #tpu.memory_space<vmem>>
    %dma_start3A_11 = tpu.memref_squeeze %dma_start3A_10 : memref<1x128xi32, #tpu.memory_space<vmem>> -> memref<128xi32, #tpu.memory_space<vmem>>
    %dma_start3A_12 = arith.constant 0 : i32
    %dma_start3A_13 = arith.constant 0 : i32
    %dma_start3A_14 = tpu.memref_slice %arg2[%dma_start3A_12, %dma_start3A_13] : memref<14096x16xf32, #tpu.memory_space<hbm>> -> memref<14096x16xf32, #tpu.memory_space<hbm>>
    %dma_start3A_15 = tpu.memref_slice %arg11[%dma_start3A_4] : memref<4x!tpu.dma_semaphore, #tpu.memory_space<semaphore_mem>> -> memref<1x!tpu.dma_semaphore, #tpu.memory_space<semaphore_mem>>
    %dma_start3A_16 = tpu.memref_squeeze %dma_start3A_15 : memref<1x!tpu.dma_semaphore, #tpu.memory_space<semaphore_mem>> -> memref<!tpu.dma_semaphore, #tpu.memory_space<semaphore_mem>>
    tpu.enqueue_indirect_dma source(%dma_start3A_14 : memref<14096x16xf32, #tpu.memory_space<hbm>>) target(%dma_start3A_8 : memref<128x16xf32, #tpu.memory_space<vmem>>) offsets(%dma_start3A_11 : memref<128xi32, #tpu.memory_space<vmem>>) semaphore(%dma_start3A_16 : memref<!tpu.dma_semaphore, #tpu.memory_space<semaphore_mem>>)
    %dma_start3A_17 = arith.constant 1 : i32
    %dma_start3A_18 = arith.constant 1 : i32
    %dma_start3A_19 = arith.constant 1 : i32
    %dma_start3A_20 = arith.constant 0 : i32
    %dma_start3A_21 = arith.constant 0 : i32
    %dma_start3A_22 = tpu.memref_slice %arg9[%dma_start3A_18, %dma_start3A_20, %dma_start3A_21] : memref<4x128x16xf32, #tpu.memory_space<vmem>> -> memref<1x128x16xf32, #tpu.memory_space<vmem>>
    %dma_start3A_23 = tpu.memref_squeeze %dma_start3A_22 : memref<1x128x16xf32, #tpu.memory_space<vmem>> -> memref<128x16xf32, #tpu.memory_space<vmem>>
    %dma_start3A_24 = arith.constant 0 : i32
    %dma_start3A_25 = tpu.memref_slice %arg7[%dma_start3A_17, %dma_start3A_24] : memref<80x128xi32, #tpu.memory_space<vmem>> -> memref<1x128xi32, #tpu.memory_space<vmem>>
    %dma_start3A_26 = tpu.memref_squeeze %dma_start3A_25 : memref<1x128xi32, #tpu.memory_space<vmem>> -> memref<128xi32, #tpu.memory_space<vmem>>
    %dma_start3A_27 = arith.constant 0 : i32
    %dma_start3A_28 = arith.constant 0 : i32
    %dma_start3A_29 = tpu.memref_slice %arg2[%dma_start3A_27, %dma_start3A_28] : memref<14096x16xf32, #tpu.memory_space<hbm>> -> memref<14096x16xf32, #tpu.memory_space<hbm>>
    %dma_start3A_30 = tpu.memref_slice %arg11[%dma_start3A_19] : memref<4x!tpu.dma_semaphore, #tpu.memory_space<semaphore_mem>> -> memref<1x!tpu.dma_semaphore, #tpu.memory_space<semaphore_mem>>
    %dma_start3A_31 = tpu.memref_squeeze %dma_start3A_30 : memref<1x!tpu.dma_semaphore, #tpu.memory_space<semaphore_mem>> -> memref<!tpu.dma_semaphore, #tpu.memory_space<semaphore_mem>>
    tpu.enqueue_indirect_dma source(%dma_start3A_29 : memref<14096x16xf32, #tpu.memory_space<hbm>>) target(%dma_start3A_23 : memref<128x16xf32, #tpu.memory_space<vmem>>) offsets(%dma_start3A_26 : memref<128xi32, #tpu.memory_space<vmem>>) semaphore(%dma_start3A_31 : memref<!tpu.dma_semaphore, #tpu.memory_space<semaphore_mem>>)
    %barrier3A = arith.constant 0 : index
    tpu.barrier barrier_id(%barrier3A)
    %scan3A = arith.constant 0 : i32
    %scan3A_32 = arith.constant 0 : i32
    %scan3A_33 = arith.constant 20 : i32
    %scan3A_34 = arith.addi %scan3A_32, %scan3A_33 : i32
    %scan3A_35 = arith.constant 1 : i32
    scf.for %scan3A_101 = %scan3A_32 to %scan3A_34 step %scan3A_35  : i32 {
      %mul3A_102 = arith.constant 4 : i32
      %mul3A_103 = arith.muli %scan3A_101, %mul3A_102 : i32
      %add3A_104 = arith.constant 0 : i32
      %add3A_105 = arith.addi %mul3A_103, %add3A_104 : i32
      %dma_wait3A_106 = arith.constant 0 : i32
      %dma_wait3A_107 = arith.constant 0 : i32
      %dma_wait3A_108 = arith.constant 0 : i32
      %dma_wait3A_109 = arith.constant 0 : i32
      %dma_wait3A_110 = tpu.memref_slice %arg9[%dma_wait3A_106, %dma_wait3A_108, %dma_wait3A_109] : memref<4x128x16xf32, #tpu.memory_space<vmem>> -> memref<1x128x16xf32, #tpu.memory_space<vmem>>
      %dma_wait3A_111 = tpu.memref_squeeze %dma_wait3A_110 : memref<1x128x16xf32, #tpu.memory_space<vmem>> -> memref<128x16xf32, #tpu.memory_space<vmem>>
      %dma_wait3A_112 = arith.constant 0 : i32
      %dma_wait3A_113 = tpu.memref_slice %arg7[%add3A_105, %dma_wait3A_112] : memref<80x128xi32, #tpu.memory_space<vmem>> -> memref<1x128xi32, #tpu.memory_space<vmem>>
      %dma_wait3A_114 = tpu.memref_squeeze %dma_wait3A_113 : memref<1x128xi32, #tpu.memory_space<vmem>> -> memref<128xi32, #tpu.memory_space<vmem>>
      %dma_wait3A_115 = arith.constant 0 : i32
      %dma_wait3A_116 = arith.constant 0 : i32
      %dma_wait3A_117 = tpu.memref_slice %arg2[%dma_wait3A_115, %dma_wait3A_116] : memref<14096x16xf32, #tpu.memory_space<hbm>> -> memref<14096x16xf32, #tpu.memory_space<hbm>>
      %dma_wait3A_118 = tpu.memref_slice %arg11[%dma_wait3A_107] : memref<4x!tpu.dma_semaphore, #tpu.memory_space<semaphore_mem>> -> memref<1x!tpu.dma_semaphore, #tpu.memory_space<semaphore_mem>>
      %dma_wait3A_119 = tpu.memref_squeeze %dma_wait3A_118 : memref<1x!tpu.dma_semaphore, #tpu.memory_space<semaphore_mem>> -> memref<!tpu.dma_semaphore, #tpu.memory_space<semaphore_mem>>
      tpu.wait_indirect_dma semaphore(%dma_wait3A_119 : memref<!tpu.dma_semaphore, #tpu.memory_space<semaphore_mem>>) src(%dma_wait3A_117 : memref<14096x16xf32, #tpu.memory_space<hbm>>) dst(%dma_wait3A_111 : memref<128x16xf32, #tpu.memory_space<vmem>>)
      %dma_start3A_120 = arith.constant 0 : i32
      %dma_start3A_121 = arith.constant 0 : i32
      %dma_start3A_122 = arith.constant 0 : i32
      %dma_start3A_123 = arith.constant 0 : i32
      %dma_start3A_124 = tpu.memref_slice %arg9[%dma_start3A_120, %dma_start3A_122, %dma_start3A_123] : memref<4x128x16xf32, #tpu.memory_space<vmem>> -> memref<1x128x16xf32, #tpu.memory_space<vmem>>
      %dma_start3A_125 = tpu.memref_squeeze %dma_start3A_124 : memref<1x128x16xf32, #tpu.memory_space<vmem>> -> memref<128x16xf32, #tpu.memory_space<vmem>>
      %dma_start3A_126 = arith.constant 0 : i32
      %dma_start3A_127 = tpu.memref_slice %arg8[%add3A_105, %dma_start3A_126] : memref<80x128xi32, #tpu.memory_space<vmem>> -> memref<1x128xi32, #tpu.memory_space<vmem>>
      %dma_start3A_128 = tpu.memref_squeeze %dma_start3A_127 : memref<1x128xi32, #tpu.memory_space<vmem>> -> memref<128xi32, #tpu.memory_space<vmem>>
      %dma_start3A_129 = arith.constant 0 : i32
      %dma_start3A_130 = arith.constant 0 : i32
      %dma_start3A_131 = tpu.memref_slice %arg10[%dma_start3A_129, %dma_start3A_130] : memref<10016x16xf32, #tpu.memory_space<vmem_shared>> -> memref<10016x16xf32, #tpu.memory_space<vmem_shared>>
      %dma_start3A_132 = tpu.memref_slice %arg12[%dma_start3A_121] : memref<4x!tpu.dma_semaphore, #tpu.memory_space<semaphore_mem>> -> memref<1x!tpu.dma_semaphore, #tpu.memory_space<semaphore_mem>>
      %dma_start3A_133 = tpu.memref_squeeze %dma_start3A_132 : memref<1x!tpu.dma_semaphore, #tpu.memory_space<semaphore_mem>> -> memref<!tpu.dma_semaphore, #tpu.memory_space<semaphore_mem>>
      tpu.enqueue_indirect_dma source(%dma_start3A_125 : memref<128x16xf32, #tpu.memory_space<vmem>>) target(%dma_start3A_131 : memref<10016x16xf32, #tpu.memory_space<vmem_shared>>) offsets(%dma_start3A_128 : memref<128xi32, #tpu.memory_space<vmem>>) semaphore(%dma_start3A_133 : memref<!tpu.dma_semaphore, #tpu.memory_space<semaphore_mem>>) {add = true}
      %add3A_134 = arith.constant 2 : i32
      %add3A_135 = arith.addi %add3A_105, %add3A_134 : i32
      %lt3A = arith.constant 80 : i32
      %lt3A_136 = arith.cmpi slt, %add3A_135, %lt3A : i32
      %convert_element_type3A = arith.extui %lt3A_136 : i1 to i32
      %cond3A = arith.constant 0 : i32
      %cond3A_137 = arith.cmpi ne, %convert_element_type3A, %cond3A : i32
      scf.if %cond3A_137 {
        %ge3A = arith.constant 4 : i32
        %ge3A_255 = arith.cmpi sge, %add3A_135, %ge3A : i32
        %convert_element_type3A_256 = arith.extui %ge3A_255 : i1 to i32
        %cond3A_257 = arith.constant 0 : i32
        %cond3A_258 = arith.cmpi ne, %convert_element_type3A_256, %cond3A_257 : i32
        scf.if %cond3A_258 {
          %dma_wait3A_273 = arith.constant 2 : i32
          %dma_wait3A_274 = arith.constant 0 : i32
          %dma_wait3A_275 = arith.constant 2 : i32
          %dma_wait3A_276 = arith.constant 0 : i32
          %dma_wait3A_277 = arith.constant 0 : i32
          %dma_wait3A_278 = tpu.memref_slice %arg9[%dma_wait3A_273, %dma_wait3A_276, %dma_wait3A_277] : memref<4x128x16xf32, #tpu.memory_space<vmem>> -> memref<1x128x16xf32, #tpu.memory_space<vmem>>
          %dma_wait3A_279 = tpu.memref_squeeze %dma_wait3A_278 : memref<1x128x16xf32, #tpu.memory_space<vmem>> -> memref<128x16xf32, #tpu.memory_space<vmem>>
          %dma_wait3A_280 = arith.constant 0 : i32
          %dma_wait3A_281 = tpu.memref_slice %arg8[%dma_wait3A_274, %dma_wait3A_280] : memref<80x128xi32, #tpu.memory_space<vmem>> -> memref<1x128xi32, #tpu.memory_space<vmem>>
          %dma_wait3A_282 = tpu.memref_squeeze %dma_wait3A_281 : memref<1x128xi32, #tpu.memory_space<vmem>> -> memref<128xi32, #tpu.memory_space<vmem>>
          %dma_wait3A_283 = arith.constant 0 : i32
          %dma_wait3A_284 = arith.constant 0 : i32
          %dma_wait3A_285 = tpu.memref_slice %arg10[%dma_wait3A_283, %dma_wait3A_284] : memref<10016x16xf32, #tpu.memory_space<vmem_shared>> -> memref<10016x16xf32, #tpu.memory_space<vmem_shared>>
          %dma_wait3A_286 = tpu.memref_slice %arg12[%dma_wait3A_275] : memref<4x!tpu.dma_semaphore, #tpu.memory_space<semaphore_mem>> -> memref<1x!tpu.dma_semaphore, #tpu.memory_space<semaphore_mem>>
          %dma_wait3A_287 = tpu.memref_squeeze %dma_wait3A_286 : memref<1x!tpu.dma_semaphore, #tpu.memory_space<semaphore_mem>> -> memref<!tpu.dma_semaphore, #tpu.memory_space<semaphore_mem>>
          tpu.wait_indirect_dma semaphore(%dma_wait3A_287 : memref<!tpu.dma_semaphore, #tpu.memory_space<semaphore_mem>>) src(%dma_wait3A_279 : memref<128x16xf32, #tpu.memory_space<vmem>>) dst(%dma_wait3A_285 : memref<10016x16xf32, #tpu.memory_space<vmem_shared>>)
        } else {
        }
        %dma_start3A_259 = arith.constant 2 : i32
        %dma_start3A_260 = arith.constant 2 : i32
        %dma_start3A_261 = arith.constant 0 : i32
        %dma_start3A_262 = arith.constant 0 : i32
        %dma_start3A_263 = tpu.memref_slice %arg9[%dma_start3A_259, %dma_start3A_261, %dma_start3A_262] : memref<4x128x16xf32, #tpu.memory_space<vmem>> -> memref<1x128x16xf32, #tpu.memory_space<vmem>>
        %dma_start3A_264 = tpu.memref_squeeze %dma_start3A_263 : memref<1x128x16xf32, #tpu.memory_space<vmem>> -> memref<128x16xf32, #tpu.memory_space<vmem>>
        %dma_start3A_265 = arith.constant 0 : i32
        %dma_start3A_266 = tpu.memref_slice %arg7[%add3A_135, %dma_start3A_265] : memref<80x128xi32, #tpu.memory_space<vmem>> -> memref<1x128xi32, #tpu.memory_space<vmem>>
        %dma_start3A_267 = tpu.memref_squeeze %dma_start3A_266 : memref<1x128xi32, #tpu.memory_space<vmem>> -> memref<128xi32, #tpu.memory_space<vmem>>
        %dma_start3A_268 = arith.constant 0 : i32
        %dma_start3A_269 = arith.constant 0 : i32
        %dma_start3A_270 = tpu.memref_slice %arg2[%dma_start3A_268, %dma_start3A_269] : memref<14096x16xf32, #tpu.memory_space<hbm>> -> memref<14096x16xf32, #tpu.memory_space<hbm>>
        %dma_start3A_271 = tpu.memref_slice %arg11[%dma_start3A_260] : memref<4x!tpu.dma_semaphore, #tpu.memory_space<semaphore_mem>> -> memref<1x!tpu.dma_semaphore, #tpu.memory_space<semaphore_mem>>
        %dma_start3A_272 = tpu.memref_squeeze %dma_start3A_271 : memref<1x!tpu.dma_semaphore, #tpu.memory_space<semaphore_mem>> -> memref<!tpu.dma_semaphore, #tpu.memory_space<semaphore_mem>>
        tpu.enqueue_indirect_dma source(%dma_start3A_270 : memref<14096x16xf32, #tpu.memory_space<hbm>>) target(%dma_start3A_264 : memref<128x16xf32, #tpu.memory_space<vmem>>) offsets(%dma_start3A_267 : memref<128xi32, #tpu.memory_space<vmem>>) semaphore(%dma_start3A_272 : memref<!tpu.dma_semaphore, #tpu.memory_space<semaphore_mem>>)
      } else {
      }
      %mul3A_138 = arith.constant 4 : i32
      %mul3A_139 = arith.muli %scan3A_101, %mul3A_138 : i32
      %add3A_140 = arith.constant 1 : i32
      %add3A_141 = arith.addi %mul3A_139, %add3A_140 : i32
      %dma_wait3A_142 = arith.constant 1 : i32
      %dma_wait3A_143 = arith.constant 1 : i32
      %dma_wait3A_144 = arith.constant 0 : i32
      %dma_wait3A_145 = arith.constant 0 : i32
      %dma_wait3A_146 = tpu.memref_slice %arg9[%dma_wait3A_142, %dma_wait3A_144, %dma_wait3A_145] : memref<4x128x16xf32, #tpu.memory_space<vmem>> -> memref<1x128x16xf32, #tpu.memory_space<vmem>>
      %dma_wait3A_147 = tpu.memref_squeeze %dma_wait3A_146 : memref<1x128x16xf32, #tpu.memory_space<vmem>> -> memref<128x16xf32, #tpu.memory_space<vmem>>
      %dma_wait3A_148 = arith.constant 0 : i32
      %dma_wait3A_149 = tpu.memref_slice %arg7[%add3A_141, %dma_wait3A_148] : memref<80x128xi32, #tpu.memory_space<vmem>> -> memref<1x128xi32, #tpu.memory_space<vmem>>
      %dma_wait3A_150 = tpu.memref_squeeze %dma_wait3A_149 : memref<1x128xi32, #tpu.memory_space<vmem>> -> memref<128xi32, #tpu.memory_space<vmem>>
      %dma_wait3A_151 = arith.constant 0 : i32
      %dma_wait3A_152 = arith.constant 0 : i32
      %dma_wait3A_153 = tpu.memref_slice %arg2[%dma_wait3A_151, %dma_wait3A_152] : memref<14096x16xf32, #tpu.memory_space<hbm>> -> memref<14096x16xf32, #tpu.memory_space<hbm>>
      %dma_wait3A_154 = tpu.memref_slice %arg11[%dma_wait3A_143] : memref<4x!tpu.dma_semaphore, #tpu.memory_space<semaphore_mem>> -> memref<1x!tpu.dma_semaphore, #tpu.memory_space<semaphore_mem>>
      %dma_wait3A_155 = tpu.memref_squeeze %dma_wait3A_154 : memref<1x!tpu.dma_semaphore, #tpu.memory_space<semaphore_mem>> -> memref<!tpu.dma_semaphore, #tpu.memory_space<semaphore_mem>>
      tpu.wait_indirect_dma semaphore(%dma_wait3A_155 : memref<!tpu.dma_semaphore, #tpu.memory_space<semaphore_mem>>) src(%dma_wait3A_153 : memref<14096x16xf32, #tpu.memory_space<hbm>>) dst(%dma_wait3A_147 : memref<128x16xf32, #tpu.memory_space<vmem>>)
      %dma_start3A_156 = arith.constant 1 : i32
      %dma_start3A_157 = arith.constant 1 : i32
      %dma_start3A_158 = arith.constant 0 : i32
      %dma_start3A_159 = arith.constant 0 : i32
      %dma_start3A_160 = tpu.memref_slice %arg9[%dma_start3A_156, %dma_start3A_158, %dma_start3A_159] : memref<4x128x16xf32, #tpu.memory_space<vmem>> -> memref<1x128x16xf32, #tpu.memory_space<vmem>>
      %dma_start3A_161 = tpu.memref_squeeze %dma_start3A_160 : memref<1x128x16xf32, #tpu.memory_space<vmem>> -> memref<128x16xf32, #tpu.memory_space<vmem>>
      %dma_start3A_162 = arith.constant 0 : i32
      %dma_start3A_163 = tpu.memref_slice %arg8[%add3A_141, %dma_start3A_162] : memref<80x128xi32, #tpu.memory_space<vmem>> -> memref<1x128xi32, #tpu.memory_space<vmem>>
      %dma_start3A_164 = tpu.memref_squeeze %dma_start3A_163 : memref<1x128xi32, #tpu.memory_space<vmem>> -> memref<128xi32, #tpu.memory_space<vmem>>
      %dma_start3A_165 = arith.constant 0 : i32
      %dma_start3A_166 = arith.constant 0 : i32
      %dma_start3A_167 = tpu.memref_slice %arg10[%dma_start3A_165, %dma_start3A_166] : memref<10016x16xf32, #tpu.memory_space<vmem_shared>> -> memref<10016x16xf32, #tpu.memory_space<vmem_shared>>
      %dma_start3A_168 = tpu.memref_slice %arg12[%dma_start3A_157] : memref<4x!tpu.dma_semaphore, #tpu.memory_space<semaphore_mem>> -> memref<1x!tpu.dma_semaphore, #tpu.memory_space<semaphore_mem>>
      %dma_start3A_169 = tpu.memref_squeeze %dma_start3A_168 : memref<1x!tpu.dma_semaphore, #tpu.memory_space<semaphore_mem>> -> memref<!tpu.dma_semaphore, #tpu.memory_space<semaphore_mem>>
      tpu.enqueue_indirect_dma source(%dma_start3A_161 : memref<128x16xf32, #tpu.memory_space<vmem>>) target(%dma_start3A_167 : memref<10016x16xf32, #tpu.memory_space<vmem_shared>>) offsets(%dma_start3A_164 : memref<128xi32, #tpu.memory_space<vmem>>) semaphore(%dma_start3A_169 : memref<!tpu.dma_semaphore, #tpu.memory_space<semaphore_mem>>) {add = true}
      %add3A_170 = arith.constant 2 : i32
      %add3A_171 = arith.addi %add3A_141, %add3A_170 : i32
      %lt3A_172 = arith.constant 80 : i32
      %lt3A_173 = arith.cmpi slt, %add3A_171, %lt3A_172 : i32
      %convert_element_type3A_174 = arith.extui %lt3A_173 : i1 to i32
      %cond3A_175 = arith.constant 0 : i32
      %cond3A_176 = arith.cmpi ne, %convert_element_type3A_174, %cond3A_175 : i32
      scf.if %cond3A_176 {
        %ge3A = arith.constant 4 : i32
        %ge3A_255 = arith.cmpi sge, %add3A_171, %ge3A : i32
        %convert_element_type3A_256 = arith.extui %ge3A_255 : i1 to i32
        %cond3A_257 = arith.constant 0 : i32
        %cond3A_258 = arith.cmpi ne, %convert_element_type3A_256, %cond3A_257 : i32
        scf.if %cond3A_258 {
          %dma_wait3A_273 = arith.constant 3 : i32
          %dma_wait3A_274 = arith.constant 0 : i32
          %dma_wait3A_275 = arith.constant 3 : i32
          %dma_wait3A_276 = arith.constant 0 : i32
          %dma_wait3A_277 = arith.constant 0 : i32
          %dma_wait3A_278 = tpu.memref_slice %arg9[%dma_wait3A_273, %dma_wait3A_276, %dma_wait3A_277] : memref<4x128x16xf32, #tpu.memory_space<vmem>> -> memref<1x128x16xf32, #tpu.memory_space<vmem>>
          %dma_wait3A_279 = tpu.memref_squeeze %dma_wait3A_278 : memref<1x128x16xf32, #tpu.memory_space<vmem>> -> memref<128x16xf32, #tpu.memory_space<vmem>>
          %dma_wait3A_280 = arith.constant 0 : i32
          %dma_wait3A_281 = tpu.memref_slice %arg8[%dma_wait3A_274, %dma_wait3A_280] : memref<80x128xi32, #tpu.memory_space<vmem>> -> memref<1x128xi32, #tpu.memory_space<vmem>>
          %dma_wait3A_282 = tpu.memref_squeeze %dma_wait3A_281 : memref<1x128xi32, #tpu.memory_space<vmem>> -> memref<128xi32, #tpu.memory_space<vmem>>
          %dma_wait3A_283 = arith.constant 0 : i32
          %dma_wait3A_284 = arith.constant 0 : i32
          %dma_wait3A_285 = tpu.memref_slice %arg10[%dma_wait3A_283, %dma_wait3A_284] : memref<10016x16xf32, #tpu.memory_space<vmem_shared>> -> memref<10016x16xf32, #tpu.memory_space<vmem_shared>>
          %dma_wait3A_286 = tpu.memref_slice %arg12[%dma_wait3A_275] : memref<4x!tpu.dma_semaphore, #tpu.memory_space<semaphore_mem>> -> memref<1x!tpu.dma_semaphore, #tpu.memory_space<semaphore_mem>>
          %dma_wait3A_287 = tpu.memref_squeeze %dma_wait3A_286 : memref<1x!tpu.dma_semaphore, #tpu.memory_space<semaphore_mem>> -> memref<!tpu.dma_semaphore, #tpu.memory_space<semaphore_mem>>
          tpu.wait_indirect_dma semaphore(%dma_wait3A_287 : memref<!tpu.dma_semaphore, #tpu.memory_space<semaphore_mem>>) src(%dma_wait3A_279 : memref<128x16xf32, #tpu.memory_space<vmem>>) dst(%dma_wait3A_285 : memref<10016x16xf32, #tpu.memory_space<vmem_shared>>)
        } else {
        }
        %dma_start3A_259 = arith.constant 3 : i32
        %dma_start3A_260 = arith.constant 3 : i32
        %dma_start3A_261 = arith.constant 0 : i32
        %dma_start3A_262 = arith.constant 0 : i32
        %dma_start3A_263 = tpu.memref_slice %arg9[%dma_start3A_259, %dma_start3A_261, %dma_start3A_262] : memref<4x128x16xf32, #tpu.memory_space<vmem>> -> memref<1x128x16xf32, #tpu.memory_space<vmem>>
        %dma_start3A_264 = tpu.memref_squeeze %dma_start3A_263 : memref<1x128x16xf32, #tpu.memory_space<vmem>> -> memref<128x16xf32, #tpu.memory_space<vmem>>
        %dma_start3A_265 = arith.constant 0 : i32
        %dma_start3A_266 = tpu.memref_slice %arg7[%add3A_171, %dma_start3A_265] : memref<80x128xi32, #tpu.memory_space<vmem>> -> memref<1x128xi32, #tpu.memory_space<vmem>>
        %dma_start3A_267 = tpu.memref_squeeze %dma_start3A_266 : memref<1x128xi32, #tpu.memory_space<vmem>> -> memref<128xi32, #tpu.memory_space<vmem>>
        %dma_start3A_268 = arith.constant 0 : i32
        %dma_start3A_269 = arith.constant 0 : i32
        %dma_start3A_270 = tpu.memref_slice %arg2[%dma_start3A_268, %dma_start3A_269] : memref<14096x16xf32, #tpu.memory_space<hbm>> -> memref<14096x16xf32, #tpu.memory_space<hbm>>
        %dma_start3A_271 = tpu.memref_slice %arg11[%dma_start3A_260] : memref<4x!tpu.dma_semaphore, #tpu.memory_space<semaphore_mem>> -> memref<1x!tpu.dma_semaphore, #tpu.memory_space<semaphore_mem>>
        %dma_start3A_272 = tpu.memref_squeeze %dma_start3A_271 : memref<1x!tpu.dma_semaphore, #tpu.memory_space<semaphore_mem>> -> memref<!tpu.dma_semaphore, #tpu.memory_space<semaphore_mem>>
        tpu.enqueue_indirect_dma source(%dma_start3A_270 : memref<14096x16xf32, #tpu.memory_space<hbm>>) target(%dma_start3A_264 : memref<128x16xf32, #tpu.memory_space<vmem>>) offsets(%dma_start3A_267 : memref<128xi32, #tpu.memory_space<vmem>>) semaphore(%dma_start3A_272 : memref<!tpu.dma_semaphore, #tpu.memory_space<semaphore_mem>>)
      } else {
      }
      %mul3A_177 = arith.constant 4 : i32
      %mul3A_178 = arith.muli %scan3A_101, %mul3A_177 : i32
      %add3A_179 = arith.constant 2 : i32
      %add3A_180 = arith.addi %mul3A_178, %add3A_179 : i32
      %dma_wait3A_181 = arith.constant 2 : i32
      %dma_wait3A_182 = arith.constant 2 : i32
      %dma_wait3A_183 = arith.constant 0 : i32
      %dma_wait3A_184 = arith.constant 0 : i32
      %dma_wait3A_185 = tpu.memref_slice %arg9[%dma_wait3A_181, %dma_wait3A_183, %dma_wait3A_184] : memref<4x128x16xf32, #tpu.memory_space<vmem>> -> memref<1x128x16xf32, #tpu.memory_space<vmem>>
      %dma_wait3A_186 = tpu.memref_squeeze %dma_wait3A_185 : memref<1x128x16xf32, #tpu.memory_space<vmem>> -> memref<128x16xf32, #tpu.memory_space<vmem>>
      %dma_wait3A_187 = arith.constant 0 : i32
      %dma_wait3A_188 = tpu.memref_slice %arg7[%add3A_180, %dma_wait3A_187] : memref<80x128xi32, #tpu.memory_space<vmem>> -> memref<1x128xi32, #tpu.memory_space<vmem>>
      %dma_wait3A_189 = tpu.memref_squeeze %dma_wait3A_188 : memref<1x128xi32, #tpu.memory_space<vmem>> -> memref<128xi32, #tpu.memory_space<vmem>>
      %dma_wait3A_190 = arith.constant 0 : i32
      %dma_wait3A_191 = arith.constant 0 : i32
      %dma_wait3A_192 = tpu.memref_slice %arg2[%dma_wait3A_190, %dma_wait3A_191] : memref<14096x16xf32, #tpu.memory_space<hbm>> -> memref<14096x16xf32, #tpu.memory_space<hbm>>
      %dma_wait3A_193 = tpu.memref_slice %arg11[%dma_wait3A_182] : memref<4x!tpu.dma_semaphore, #tpu.memory_space<semaphore_mem>> -> memref<1x!tpu.dma_semaphore, #tpu.memory_space<semaphore_mem>>
      %dma_wait3A_194 = tpu.memref_squeeze %dma_wait3A_193 : memref<1x!tpu.dma_semaphore, #tpu.memory_space<semaphore_mem>> -> memref<!tpu.dma_semaphore, #tpu.memory_space<semaphore_mem>>
      tpu.wait_indirect_dma semaphore(%dma_wait3A_194 : memref<!tpu.dma_semaphore, #tpu.memory_space<semaphore_mem>>) src(%dma_wait3A_192 : memref<14096x16xf32, #tpu.memory_space<hbm>>) dst(%dma_wait3A_186 : memref<128x16xf32, #tpu.memory_space<vmem>>)
      %dma_start3A_195 = arith.constant 2 : i32
      %dma_start3A_196 = arith.constant 2 : i32
      %dma_start3A_197 = arith.constant 0 : i32
      %dma_start3A_198 = arith.constant 0 : i32
      %dma_start3A_199 = tpu.memref_slice %arg9[%dma_start3A_195, %dma_start3A_197, %dma_start3A_198] : memref<4x128x16xf32, #tpu.memory_space<vmem>> -> memref<1x128x16xf32, #tpu.memory_space<vmem>>
      %dma_start3A_200 = tpu.memref_squeeze %dma_start3A_199 : memref<1x128x16xf32, #tpu.memory_space<vmem>> -> memref<128x16xf32, #tpu.memory_space<vmem>>
      %dma_start3A_201 = arith.constant 0 : i32
      %dma_start3A_202 = tpu.memref_slice %arg8[%add3A_180, %dma_start3A_201] : memref<80x128xi32, #tpu.memory_space<vmem>> -> memref<1x128xi32, #tpu.memory_space<vmem>>
      %dma_start3A_203 = tpu.memref_squeeze %dma_start3A_202 : memref<1x128xi32, #tpu.memory_space<vmem>> -> memref<128xi32, #tpu.memory_space<vmem>>
      %dma_start3A_204 = arith.constant 0 : i32
      %dma_start3A_205 = arith.constant 0 : i32
      %dma_start3A_206 = tpu.memref_slice %arg10[%dma_start3A_204, %dma_start3A_205] : memref<10016x16xf32, #tpu.memory_space<vmem_shared>> -> memref<10016x16xf32, #tpu.memory_space<vmem_shared>>
      %dma_start3A_207 = tpu.memref_slice %arg12[%dma_start3A_196] : memref<4x!tpu.dma_semaphore, #tpu.memory_space<semaphore_mem>> -> memref<1x!tpu.dma_semaphore, #tpu.memory_space<semaphore_mem>>
      %dma_start3A_208 = tpu.memref_squeeze %dma_start3A_207 : memref<1x!tpu.dma_semaphore, #tpu.memory_space<semaphore_mem>> -> memref<!tpu.dma_semaphore, #tpu.memory_space<semaphore_mem>>
      tpu.enqueue_indirect_dma source(%dma_start3A_200 : memref<128x16xf32, #tpu.memory_space<vmem>>) target(%dma_start3A_206 : memref<10016x16xf32, #tpu.memory_space<vmem_shared>>) offsets(%dma_start3A_203 : memref<128xi32, #tpu.memory_space<vmem>>) semaphore(%dma_start3A_208 : memref<!tpu.dma_semaphore, #tpu.memory_space<semaphore_mem>>) {add = true}
      %add3A_209 = arith.constant 2 : i32
      %add3A_210 = arith.addi %add3A_180, %add3A_209 : i32
      %lt3A_211 = arith.constant 80 : i32
      %lt3A_212 = arith.cmpi slt, %add3A_210, %lt3A_211 : i32
      %convert_element_type3A_213 = arith.extui %lt3A_212 : i1 to i32
      %cond3A_214 = arith.constant 0 : i32
      %cond3A_215 = arith.cmpi ne, %convert_element_type3A_213, %cond3A_214 : i32
      scf.if %cond3A_215 {
        %ge3A = arith.constant 4 : i32
        %ge3A_255 = arith.cmpi sge, %add3A_210, %ge3A : i32
        %convert_element_type3A_256 = arith.extui %ge3A_255 : i1 to i32
        %cond3A_257 = arith.constant 0 : i32
        %cond3A_258 = arith.cmpi ne, %convert_element_type3A_256, %cond3A_257 : i32
        scf.if %cond3A_258 {
          %dma_wait3A_273 = arith.constant 0 : i32
          %dma_wait3A_274 = arith.constant 0 : i32
          %dma_wait3A_275 = arith.constant 0 : i32
          %dma_wait3A_276 = arith.constant 0 : i32
          %dma_wait3A_277 = arith.constant 0 : i32
          %dma_wait3A_278 = tpu.memref_slice %arg9[%dma_wait3A_273, %dma_wait3A_276, %dma_wait3A_277] : memref<4x128x16xf32, #tpu.memory_space<vmem>> -> memref<1x128x16xf32, #tpu.memory_space<vmem>>
          %dma_wait3A_279 = tpu.memref_squeeze %dma_wait3A_278 : memref<1x128x16xf32, #tpu.memory_space<vmem>> -> memref<128x16xf32, #tpu.memory_space<vmem>>
          %dma_wait3A_280 = arith.constant 0 : i32
          %dma_wait3A_281 = tpu.memref_slice %arg8[%dma_wait3A_274, %dma_wait3A_280] : memref<80x128xi32, #tpu.memory_space<vmem>> -> memref<1x128xi32, #tpu.memory_space<vmem>>
          %dma_wait3A_282 = tpu.memref_squeeze %dma_wait3A_281 : memref<1x128xi32, #tpu.memory_space<vmem>> -> memref<128xi32, #tpu.memory_space<vmem>>
          %dma_wait3A_283 = arith.constant 0 : i32
          %dma_wait3A_284 = arith.constant 0 : i32
          %dma_wait3A_285 = tpu.memref_slice %arg10[%dma_wait3A_283, %dma_wait3A_284] : memref<10016x16xf32, #tpu.memory_space<vmem_shared>> -> memref<10016x16xf32, #tpu.memory_space<vmem_shared>>
          %dma_wait3A_286 = tpu.memref_slice %arg12[%dma_wait3A_275] : memref<4x!tpu.dma_semaphore, #tpu.memory_space<semaphore_mem>> -> memref<1x!tpu.dma_semaphore, #tpu.memory_space<semaphore_mem>>
          %dma_wait3A_287 = tpu.memref_squeeze %dma_wait3A_286 : memref<1x!tpu.dma_semaphore, #tpu.memory_space<semaphore_mem>> -> memref<!tpu.dma_semaphore, #tpu.memory_space<semaphore_mem>>
          tpu.wait_indirect_dma semaphore(%dma_wait3A_287 : memref<!tpu.dma_semaphore, #tpu.memory_space<semaphore_mem>>) src(%dma_wait3A_279 : memref<128x16xf32, #tpu.memory_space<vmem>>) dst(%dma_wait3A_285 : memref<10016x16xf32, #tpu.memory_space<vmem_shared>>)
        } else {
        }
        %dma_start3A_259 = arith.constant 0 : i32
        %dma_start3A_260 = arith.constant 0 : i32
        %dma_start3A_261 = arith.constant 0 : i32
        %dma_start3A_262 = arith.constant 0 : i32
        %dma_start3A_263 = tpu.memref_slice %arg9[%dma_start3A_259, %dma_start3A_261, %dma_start3A_262] : memref<4x128x16xf32, #tpu.memory_space<vmem>> -> memref<1x128x16xf32, #tpu.memory_space<vmem>>
        %dma_start3A_264 = tpu.memref_squeeze %dma_start3A_263 : memref<1x128x16xf32, #tpu.memory_space<vmem>> -> memref<128x16xf32, #tpu.memory_space<vmem>>
        %dma_start3A_265 = arith.constant 0 : i32
        %dma_start3A_266 = tpu.memref_slice %arg7[%add3A_210, %dma_start3A_265] : memref<80x128xi32, #tpu.memory_space<vmem>> -> memref<1x128xi32, #tpu.memory_space<vmem>>
        %dma_start3A_267 = tpu.memref_squeeze %dma_start3A_266 : memref<1x128xi32, #tpu.memory_space<vmem>> -> memref<128xi32, #tpu.memory_space<vmem>>
        %dma_start3A_268 = arith.constant 0 : i32
        %dma_start3A_269 = arith.constant 0 : i32
        %dma_start3A_270 = tpu.memref_slice %arg2[%dma_start3A_268, %dma_start3A_269] : memref<14096x16xf32, #tpu.memory_space<hbm>> -> memref<14096x16xf32, #tpu.memory_space<hbm>>
        %dma_start3A_271 = tpu.memref_slice %arg11[%dma_start3A_260] : memref<4x!tpu.dma_semaphore, #tpu.memory_space<semaphore_mem>> -> memref<1x!tpu.dma_semaphore, #tpu.memory_space<semaphore_mem>>
        %dma_start3A_272 = tpu.memref_squeeze %dma_start3A_271 : memref<1x!tpu.dma_semaphore, #tpu.memory_space<semaphore_mem>> -> memref<!tpu.dma_semaphore, #tpu.memory_space<semaphore_mem>>
        tpu.enqueue_indirect_dma source(%dma_start3A_270 : memref<14096x16xf32, #tpu.memory_space<hbm>>) target(%dma_start3A_264 : memref<128x16xf32, #tpu.memory_space<vmem>>) offsets(%dma_start3A_267 : memref<128xi32, #tpu.memory_space<vmem>>) semaphore(%dma_start3A_272 : memref<!tpu.dma_semaphore, #tpu.memory_space<semaphore_mem>>)
      } else {
      }
      %mul3A_216 = arith.constant 4 : i32
      %mul3A_217 = arith.muli %scan3A_101, %mul3A_216 : i32
      %add3A_218 = arith.constant 3 : i32
      %add3A_219 = arith.addi %mul3A_217, %add3A_218 : i32
      %dma_wait3A_220 = arith.constant 3 : i32
      %dma_wait3A_221 = arith.constant 3 : i32
      %dma_wait3A_222 = arith.constant 0 : i32
      %dma_wait3A_223 = arith.constant 0 : i32
      %dma_wait3A_224 = tpu.memref_slice %arg9[%dma_wait3A_220, %dma_wait3A_222, %dma_wait3A_223] : memref<4x128x16xf32, #tpu.memory_space<vmem>> -> memref<1x128x16xf32, #tpu.memory_space<vmem>>
      %dma_wait3A_225 = tpu.memref_squeeze %dma_wait3A_224 : memref<1x128x16xf32, #tpu.memory_space<vmem>> -> memref<128x16xf32, #tpu.memory_space<vmem>>
      %dma_wait3A_226 = arith.constant 0 : i32
      %dma_wait3A_227 = tpu.memref_slice %arg7[%add3A_219, %dma_wait3A_226] : memref<80x128xi32, #tpu.memory_space<vmem>> -> memref<1x128xi32, #tpu.memory_space<vmem>>
      %dma_wait3A_228 = tpu.memref_squeeze %dma_wait3A_227 : memref<1x128xi32, #tpu.memory_space<vmem>> -> memref<128xi32, #tpu.memory_space<vmem>>
      %dma_wait3A_229 = arith.constant 0 : i32
      %dma_wait3A_230 = arith.constant 0 : i32
      %dma_wait3A_231 = tpu.memref_slice %arg2[%dma_wait3A_229, %dma_wait3A_230] : memref<14096x16xf32, #tpu.memory_space<hbm>> -> memref<14096x16xf32, #tpu.memory_space<hbm>>
      %dma_wait3A_232 = tpu.memref_slice %arg11[%dma_wait3A_221] : memref<4x!tpu.dma_semaphore, #tpu.memory_space<semaphore_mem>> -> memref<1x!tpu.dma_semaphore, #tpu.memory_space<semaphore_mem>>
      %dma_wait3A_233 = tpu.memref_squeeze %dma_wait3A_232 : memref<1x!tpu.dma_semaphore, #tpu.memory_space<semaphore_mem>> -> memref<!tpu.dma_semaphore, #tpu.memory_space<semaphore_mem>>
      tpu.wait_indirect_dma semaphore(%dma_wait3A_233 : memref<!tpu.dma_semaphore, #tpu.memory_space<semaphore_mem>>) src(%dma_wait3A_231 : memref<14096x16xf32, #tpu.memory_space<hbm>>) dst(%dma_wait3A_225 : memref<128x16xf32, #tpu.memory_space<vmem>>)
      %dma_start3A_234 = arith.constant 3 : i32
      %dma_start3A_235 = arith.constant 3 : i32
      %dma_start3A_236 = arith.constant 0 : i32
      %dma_start3A_237 = arith.constant 0 : i32
      %dma_start3A_238 = tpu.memref_slice %arg9[%dma_start3A_234, %dma_start3A_236, %dma_start3A_237] : memref<4x128x16xf32, #tpu.memory_space<vmem>> -> memref<1x128x16xf32, #tpu.memory_space<vmem>>
      %dma_start3A_239 = tpu.memref_squeeze %dma_start3A_238 : memref<1x128x16xf32, #tpu.memory_space<vmem>> -> memref<128x16xf32, #tpu.memory_space<vmem>>
      %dma_start3A_240 = arith.constant 0 : i32
      %dma_start3A_241 = tpu.memref_slice %arg8[%add3A_219, %dma_start3A_240] : memref<80x128xi32, #tpu.memory_space<vmem>> -> memref<1x128xi32, #tpu.memory_space<vmem>>
      %dma_start3A_242 = tpu.memref_squeeze %dma_start3A_241 : memref<1x128xi32, #tpu.memory_space<vmem>> -> memref<128xi32, #tpu.memory_space<vmem>>
      %dma_start3A_243 = arith.constant 0 : i32
      %dma_start3A_244 = arith.constant 0 : i32
      %dma_start3A_245 = tpu.memref_slice %arg10[%dma_start3A_243, %dma_start3A_244] : memref<10016x16xf32, #tpu.memory_space<vmem_shared>> -> memref<10016x16xf32, #tpu.memory_space<vmem_shared>>
      %dma_start3A_246 = tpu.memref_slice %arg12[%dma_start3A_235] : memref<4x!tpu.dma_semaphore, #tpu.memory_space<semaphore_mem>> -> memref<1x!tpu.dma_semaphore, #tpu.memory_space<semaphore_mem>>
      %dma_start3A_247 = tpu.memref_squeeze %dma_start3A_246 : memref<1x!tpu.dma_semaphore, #tpu.memory_space<semaphore_mem>> -> memref<!tpu.dma_semaphore, #tpu.memory_space<semaphore_mem>>
      tpu.enqueue_indirect_dma source(%dma_start3A_239 : memref<128x16xf32, #tpu.memory_space<vmem>>) target(%dma_start3A_245 : memref<10016x16xf32, #tpu.memory_space<vmem_shared>>) offsets(%dma_start3A_242 : memref<128xi32, #tpu.memory_space<vmem>>) semaphore(%dma_start3A_247 : memref<!tpu.dma_semaphore, #tpu.memory_space<semaphore_mem>>) {add = true}
      %add3A_248 = arith.constant 2 : i32
      %add3A_249 = arith.addi %add3A_219, %add3A_248 : i32
      %lt3A_250 = arith.constant 80 : i32
      %lt3A_251 = arith.cmpi slt, %add3A_249, %lt3A_250 : i32
      %convert_element_type3A_252 = arith.extui %lt3A_251 : i1 to i32
      %cond3A_253 = arith.constant 0 : i32
      %cond3A_254 = arith.cmpi ne, %convert_element_type3A_252, %cond3A_253 : i32
      scf.if %cond3A_254 {
        %ge3A = arith.constant 4 : i32
        %ge3A_255 = arith.cmpi sge, %add3A_249, %ge3A : i32
        %convert_element_type3A_256 = arith.extui %ge3A_255 : i1 to i32
        %cond3A_257 = arith.constant 0 : i32
        %cond3A_258 = arith.cmpi ne, %convert_element_type3A_256, %cond3A_257 : i32
        scf.if %cond3A_258 {
          %dma_wait3A_273 = arith.constant 1 : i32
          %dma_wait3A_274 = arith.constant 0 : i32
          %dma_wait3A_275 = arith.constant 1 : i32
          %dma_wait3A_276 = arith.constant 0 : i32
          %dma_wait3A_277 = arith.constant 0 : i32
          %dma_wait3A_278 = tpu.memref_slice %arg9[%dma_wait3A_273, %dma_wait3A_276, %dma_wait3A_277] : memref<4x128x16xf32, #tpu.memory_space<vmem>> -> memref<1x128x16xf32, #tpu.memory_space<vmem>>
          %dma_wait3A_279 = tpu.memref_squeeze %dma_wait3A_278 : memref<1x128x16xf32, #tpu.memory_space<vmem>> -> memref<128x16xf32, #tpu.memory_space<vmem>>
          %dma_wait3A_280 = arith.constant 0 : i32
          %dma_wait3A_281 = tpu.memref_slice %arg8[%dma_wait3A_274, %dma_wait3A_280] : memref<80x128xi32, #tpu.memory_space<vmem>> -> memref<1x128xi32, #tpu.memory_space<vmem>>
          %dma_wait3A_282 = tpu.memref_squeeze %dma_wait3A_281 : memref<1x128xi32, #tpu.memory_space<vmem>> -> memref<128xi32, #tpu.memory_space<vmem>>
          %dma_wait3A_283 = arith.constant 0 : i32
          %dma_wait3A_284 = arith.constant 0 : i32
          %dma_wait3A_285 = tpu.memref_slice %arg10[%dma_wait3A_283, %dma_wait3A_284] : memref<10016x16xf32, #tpu.memory_space<vmem_shared>> -> memref<10016x16xf32, #tpu.memory_space<vmem_shared>>
          %dma_wait3A_286 = tpu.memref_slice %arg12[%dma_wait3A_275] : memref<4x!tpu.dma_semaphore, #tpu.memory_space<semaphore_mem>> -> memref<1x!tpu.dma_semaphore, #tpu.memory_space<semaphore_mem>>
          %dma_wait3A_287 = tpu.memref_squeeze %dma_wait3A_286 : memref<1x!tpu.dma_semaphore, #tpu.memory_space<semaphore_mem>> -> memref<!tpu.dma_semaphore, #tpu.memory_space<semaphore_mem>>
          tpu.wait_indirect_dma semaphore(%dma_wait3A_287 : memref<!tpu.dma_semaphore, #tpu.memory_space<semaphore_mem>>) src(%dma_wait3A_279 : memref<128x16xf32, #tpu.memory_space<vmem>>) dst(%dma_wait3A_285 : memref<10016x16xf32, #tpu.memory_space<vmem_shared>>)
        } else {
        }
        %dma_start3A_259 = arith.constant 1 : i32
        %dma_start3A_260 = arith.constant 1 : i32
        %dma_start3A_261 = arith.constant 0 : i32
        %dma_start3A_262 = arith.constant 0 : i32
        %dma_start3A_263 = tpu.memref_slice %arg9[%dma_start3A_259, %dma_start3A_261, %dma_start3A_262] : memref<4x128x16xf32, #tpu.memory_space<vmem>> -> memref<1x128x16xf32, #tpu.memory_space<vmem>>
        %dma_start3A_264 = tpu.memref_squeeze %dma_start3A_263 : memref<1x128x16xf32, #tpu.memory_space<vmem>> -> memref<128x16xf32, #tpu.memory_space<vmem>>
        %dma_start3A_265 = arith.constant 0 : i32
        %dma_start3A_266 = tpu.memref_slice %arg7[%add3A_249, %dma_start3A_265] : memref<80x128xi32, #tpu.memory_space<vmem>> -> memref<1x128xi32, #tpu.memory_space<vmem>>
        %dma_start3A_267 = tpu.memref_squeeze %dma_start3A_266 : memref<1x128xi32, #tpu.memory_space<vmem>> -> memref<128xi32, #tpu.memory_space<vmem>>
        %dma_start3A_268 = arith.constant 0 : i32
        %dma_start3A_269 = arith.constant 0 : i32
        %dma_start3A_270 = tpu.memref_slice %arg2[%dma_start3A_268, %dma_start3A_269] : memref<14096x16xf32, #tpu.memory_space<hbm>> -> memref<14096x16xf32, #tpu.memory_space<hbm>>
        %dma_start3A_271 = tpu.memref_slice %arg11[%dma_start3A_260] : memref<4x!tpu.dma_semaphore, #tpu.memory_space<semaphore_mem>> -> memref<1x!tpu.dma_semaphore, #tpu.memory_space<semaphore_mem>>
        %dma_start3A_272 = tpu.memref_squeeze %dma_start3A_271 : memref<1x!tpu.dma_semaphore, #tpu.memory_space<semaphore_mem>> -> memref<!tpu.dma_semaphore, #tpu.memory_space<semaphore_mem>>
        tpu.enqueue_indirect_dma source(%dma_start3A_270 : memref<14096x16xf32, #tpu.memory_space<hbm>>) target(%dma_start3A_264 : memref<128x16xf32, #tpu.memory_space<vmem>>) offsets(%dma_start3A_267 : memref<128xi32, #tpu.memory_space<vmem>>) semaphore(%dma_start3A_272 : memref<!tpu.dma_semaphore, #tpu.memory_space<semaphore_mem>>)
      } else {
      }
    }
    %scan3A_36 = arith.constant 20 : i32
    %dma_wait3A = arith.constant 0 : i32
    %dma_wait3A_37 = arith.constant 0 : i32
    %dma_wait3A_38 = arith.constant 0 : i32
    %dma_wait3A_39 = arith.constant 0 : i32
    %dma_wait3A_40 = arith.constant 0 : i32
    %dma_wait3A_41 = tpu.memref_slice %arg9[%dma_wait3A, %dma_wait3A_39, %dma_wait3A_40] : memref<4x128x16xf32, #tpu.memory_space<vmem>> -> memref<1x128x16xf32, #tpu.memory_space<vmem>>
    %dma_wait3A_42 = tpu.memref_squeeze %dma_wait3A_41 : memref<1x128x16xf32, #tpu.memory_space<vmem>> -> memref<128x16xf32, #tpu.memory_space<vmem>>
    %dma_wait3A_43 = arith.constant 0 : i32
    %dma_wait3A_44 = tpu.memref_slice %arg8[%dma_wait3A_37, %dma_wait3A_43] : memref<80x128xi32, #tpu.memory_space<vmem>> -> memref<1x128xi32, #tpu.memory_space<vmem>>
    %dma_wait3A_45 = tpu.memref_squeeze %dma_wait3A_44 : memref<1x128xi32, #tpu.memory_space<vmem>> -> memref<128xi32, #tpu.memory_space<vmem>>
    %dma_wait3A_46 = arith.constant 0 : i32
    %dma_wait3A_47 = arith.constant 0 : i32
    %dma_wait3A_48 = tpu.memref_slice %arg10[%dma_wait3A_46, %dma_wait3A_47] : memref<10016x16xf32, #tpu.memory_space<vmem_shared>> -> memref<10016x16xf32, #tpu.memory_space<vmem_shared>>
    %dma_wait3A_49 = tpu.memref_slice %arg12[%dma_wait3A_38] : memref<4x!tpu.dma_semaphore, #tpu.memory_space<semaphore_mem>> -> memref<1x!tpu.dma_semaphore, #tpu.memory_space<semaphore_mem>>
    %dma_wait3A_50 = tpu.memref_squeeze %dma_wait3A_49 : memref<1x!tpu.dma_semaphore, #tpu.memory_space<semaphore_mem>> -> memref<!tpu.dma_semaphore, #tpu.memory_space<semaphore_mem>>
    tpu.wait_indirect_dma semaphore(%dma_wait3A_50 : memref<!tpu.dma_semaphore, #tpu.memory_space<semaphore_mem>>) src(%dma_wait3A_42 : memref<128x16xf32, #tpu.memory_space<vmem>>) dst(%dma_wait3A_48 : memref<10016x16xf32, #tpu.memory_space<vmem_shared>>)
    %dma_wait3A_51 = arith.constant 1 : i32
    %dma_wait3A_52 = arith.constant 0 : i32
    %dma_wait3A_53 = arith.constant 1 : i32
    %dma_wait3A_54 = arith.constant 0 : i32
    %dma_wait3A_55 = arith.constant 0 : i32
    %dma_wait3A_56 = tpu.memref_slice %arg9[%dma_wait3A_51, %dma_wait3A_54, %dma_wait3A_55] : memref<4x128x16xf32, #tpu.memory_space<vmem>> -> memref<1x128x16xf32, #tpu.memory_space<vmem>>
    %dma_wait3A_57 = tpu.memref_squeeze %dma_wait3A_56 : memref<1x128x16xf32, #tpu.memory_space<vmem>> -> memref<128x16xf32, #tpu.memory_space<vmem>>
    %dma_wait3A_58 = arith.constant 0 : i32
    %dma_wait3A_59 = tpu.memref_slice %arg8[%dma_wait3A_52, %dma_wait3A_58] : memref<80x128xi32, #tpu.memory_space<vmem>> -> memref<1x128xi32, #tpu.memory_space<vmem>>
    %dma_wait3A_60 = tpu.memref_squeeze %dma_wait3A_59 : memref<1x128xi32, #tpu.memory_space<vmem>> -> memref<128xi32, #tpu.memory_space<vmem>>
    %dma_wait3A_61 = arith.constant 0 : i32
    %dma_wait3A_62 = arith.constant 0 : i32
    %dma_wait3A_63 = tpu.memref_slice %arg10[%dma_wait3A_61, %dma_wait3A_62] : memref<10016x16xf32, #tpu.memory_space<vmem_shared>> -> memref<10016x16xf32, #tpu.memory_space<vmem_shared>>
    %dma_wait3A_64 = tpu.memref_slice %arg12[%dma_wait3A_53] : memref<4x!tpu.dma_semaphore, #tpu.memory_space<semaphore_mem>> -> memref<1x!tpu.dma_semaphore, #tpu.memory_space<semaphore_mem>>
    %dma_wait3A_65 = tpu.memref_squeeze %dma_wait3A_64 : memref<1x!tpu.dma_semaphore, #tpu.memory_space<semaphore_mem>> -> memref<!tpu.dma_semaphore, #tpu.memory_space<semaphore_mem>>
    tpu.wait_indirect_dma semaphore(%dma_wait3A_65 : memref<!tpu.dma_semaphore, #tpu.memory_space<semaphore_mem>>) src(%dma_wait3A_57 : memref<128x16xf32, #tpu.memory_space<vmem>>) dst(%dma_wait3A_63 : memref<10016x16xf32, #tpu.memory_space<vmem_shared>>)
    %dma_wait3A_66 = arith.constant 2 : i32
    %dma_wait3A_67 = arith.constant 0 : i32
    %dma_wait3A_68 = arith.constant 2 : i32
    %dma_wait3A_69 = arith.constant 0 : i32
    %dma_wait3A_70 = arith.constant 0 : i32
    %dma_wait3A_71 = tpu.memref_slice %arg9[%dma_wait3A_66, %dma_wait3A_69, %dma_wait3A_70] : memref<4x128x16xf32, #tpu.memory_space<vmem>> -> memref<1x128x16xf32, #tpu.memory_space<vmem>>
    %dma_wait3A_72 = tpu.memref_squeeze %dma_wait3A_71 : memref<1x128x16xf32, #tpu.memory_space<vmem>> -> memref<128x16xf32, #tpu.memory_space<vmem>>
    %dma_wait3A_73 = arith.constant 0 : i32
    %dma_wait3A_74 = tpu.memref_slice %arg8[%dma_wait3A_67, %dma_wait3A_73] : memref<80x128xi32, #tpu.memory_space<vmem>> -> memref<1x128xi32, #tpu.memory_space<vmem>>
    %dma_wait3A_75 = tpu.memref_squeeze %dma_wait3A_74 : memref<1x128xi32, #tpu.memory_space<vmem>> -> memref<128xi32, #tpu.memory_space<vmem>>
    %dma_wait3A_76 = arith.constant 0 : i32
    %dma_wait3A_77 = arith.constant 0 : i32
    %dma_wait3A_78 = tpu.memref_slice %arg10[%dma_wait3A_76, %dma_wait3A_77] : memref<10016x16xf32, #tpu.memory_space<vmem_shared>> -> memref<10016x16xf32, #tpu.memory_space<vmem_shared>>
    %dma_wait3A_79 = tpu.memref_slice %arg12[%dma_wait3A_68] : memref<4x!tpu.dma_semaphore, #tpu.memory_space<semaphore_mem>> -> memref<1x!tpu.dma_semaphore, #tpu.memory_space<semaphore_mem>>
    %dma_wait3A_80 = tpu.memref_squeeze %dma_wait3A_79 : memref<1x!tpu.dma_semaphore, #tpu.memory_space<semaphore_mem>> -> memref<!tpu.dma_semaphore, #tpu.memory_space<semaphore_mem>>
    tpu.wait_indirect_dma semaphore(%dma_wait3A_80 : memref<!tpu.dma_semaphore, #tpu.memory_space<semaphore_mem>>) src(%dma_wait3A_72 : memref<128x16xf32, #tpu.memory_space<vmem>>) dst(%dma_wait3A_78 : memref<10016x16xf32, #tpu.memory_space<vmem_shared>>)
    %dma_wait3A_81 = arith.constant 3 : i32
    %dma_wait3A_82 = arith.constant 0 : i32
    %dma_wait3A_83 = arith.constant 3 : i32
    %dma_wait3A_84 = arith.constant 0 : i32
    %dma_wait3A_85 = arith.constant 0 : i32
    %dma_wait3A_86 = tpu.memref_slice %arg9[%dma_wait3A_81, %dma_wait3A_84, %dma_wait3A_85] : memref<4x128x16xf32, #tpu.memory_space<vmem>> -> memref<1x128x16xf32, #tpu.memory_space<vmem>>
    %dma_wait3A_87 = tpu.memref_squeeze %dma_wait3A_86 : memref<1x128x16xf32, #tpu.memory_space<vmem>> -> memref<128x16xf32, #tpu.memory_space<vmem>>
    %dma_wait3A_88 = arith.constant 0 : i32
    %dma_wait3A_89 = tpu.memref_slice %arg8[%dma_wait3A_82, %dma_wait3A_88] : memref<80x128xi32, #tpu.memory_space<vmem>> -> memref<1x128xi32, #tpu.memory_space<vmem>>
    %dma_wait3A_90 = tpu.memref_squeeze %dma_wait3A_89 : memref<1x128xi32, #tpu.memory_space<vmem>> -> memref<128xi32, #tpu.memory_space<vmem>>
    %dma_wait3A_91 = arith.constant 0 : i32
    %dma_wait3A_92 = arith.constant 0 : i32
    %dma_wait3A_93 = tpu.memref_slice %arg10[%dma_wait3A_91, %dma_wait3A_92] : memref<10016x16xf32, #tpu.memory_space<vmem_shared>> -> memref<10016x16xf32, #tpu.memory_space<vmem_shared>>
    %dma_wait3A_94 = tpu.memref_slice %arg12[%dma_wait3A_83] : memref<4x!tpu.dma_semaphore, #tpu.memory_space<semaphore_mem>> -> memref<1x!tpu.dma_semaphore, #tpu.memory_space<semaphore_mem>>
    %dma_wait3A_95 = tpu.memref_squeeze %dma_wait3A_94 : memref<1x!tpu.dma_semaphore, #tpu.memory_space<semaphore_mem>> -> memref<!tpu.dma_semaphore, #tpu.memory_space<semaphore_mem>>
    tpu.wait_indirect_dma semaphore(%dma_wait3A_95 : memref<!tpu.dma_semaphore, #tpu.memory_space<semaphore_mem>>) src(%dma_wait3A_87 : memref<128x16xf32, #tpu.memory_space<vmem>>) dst(%dma_wait3A_93 : memref<10016x16xf32, #tpu.memory_space<vmem_shared>>)
    %barrier3A_96 = arith.constant 0 : index
    tpu.barrier barrier_id(%barrier3A_96)
    %mul3A_97 = arith.constant 626 : i32
    %mul3A_98 = arith.muli %arg1, %mul3A_97 : i32
    %mul3A_99 = arith.constant 626 : i32
    %mul3A_100 = arith.muli %arg1, %mul3A_99 : i32
    "tpu.region"() ({
      %run_scoped3A = tpu.sem_alloc : memref<!tpu.dma_semaphore, #tpu.memory_space<semaphore_mem>>
      %dma_start3A_101 = arith.constant 0 : i32
      %dma_start3A_102 = arith.constant 0 : i32
      %dma_start3A_103 = tpu.memref_slice %arg6[%arg0, %dma_start3A_101, %dma_start3A_102] : memref<2x10016x16xf32, #tpu.memory_space<hbm>> -> memref<1x10016x16xf32, #tpu.memory_space<hbm>>
      %dma_start3A_104 = tpu.memref_squeeze %dma_start3A_103 : memref<1x10016x16xf32, #tpu.memory_space<hbm>> -> memref<10016x16xf32, #tpu.memory_space<hbm>>
      %dma_start3A_105 = arith.constant 0 : i32
      %dma_start3A_106 = tpu.memref_slice %dma_start3A_104[%mul3A_100, %dma_start3A_105] : memref<10016x16xf32, #tpu.memory_space<hbm>> -> memref<626x16xf32, #tpu.memory_space<hbm>>
      %dma_start3A_107 = arith.constant 0 : i32
      %dma_start3A_108 = tpu.memref_slice %arg10[%mul3A_98, %dma_start3A_107] : memref<10016x16xf32, #tpu.memory_space<vmem_shared>> -> memref<626x16xf32, #tpu.memory_space<vmem_shared>>
      tpu.enqueue_dma source(%dma_start3A_108 : memref<626x16xf32, #tpu.memory_space<vmem_shared>>) target(%dma_start3A_106 : memref<626x16xf32, #tpu.memory_space<hbm>>) target_semaphore(%run_scoped3A : memref<!tpu.dma_semaphore, #tpu.memory_space<semaphore_mem>>)
      %dma_wait3A_109 = arith.constant 0 : i32
      %dma_wait3A_110 = arith.constant 0 : i32
      %dma_wait3A_111 = tpu.memref_slice %arg6[%arg0, %dma_wait3A_109, %dma_wait3A_110] : memref<2x10016x16xf32, #tpu.memory_space<hbm>> -> memref<1x10016x16xf32, #tpu.memory_space<hbm>>
      %dma_wait3A_112 = tpu.memref_squeeze %dma_wait3A_111 : memref<1x10016x16xf32, #tpu.memory_space<hbm>> -> memref<10016x16xf32, #tpu.memory_space<hbm>>
      %dma_wait3A_113 = arith.constant 0 : i32
      %dma_wait3A_114 = tpu.memref_slice %dma_wait3A_112[%mul3A_100, %dma_wait3A_113] : memref<10016x16xf32, #tpu.memory_space<hbm>> -> memref<626x16xf32, #tpu.memory_space<hbm>>
      %dma_wait3A_115 = arith.constant 0 : i32
      %dma_wait3A_116 = tpu.memref_slice %arg10[%mul3A_98, %dma_wait3A_115] : memref<10016x16xf32, #tpu.memory_space<vmem_shared>> -> memref<626x16xf32, #tpu.memory_space<vmem_shared>>
      tpu.wait_dma2 semaphore(%run_scoped3A : memref<!tpu.dma_semaphore, #tpu.memory_space<semaphore_mem>>) src(%dma_wait3A_116 : memref<626x16xf32, #tpu.memory_space<vmem_shared>>) dst(%dma_wait3A_114 : memref<626x16xf32, #tpu.memory_space<hbm>>)
      tpu.yield
    }) : () -> ()
    return
  }
}

module attributes {stable_mosaic.version = 14 : i64} {
  func.func @_k1_body(%arg0: i32, %arg1: memref<1000x128xf32, #tpu.memory_space<vmem>>, %arg2: memref<1000x1xi32, #tpu.memory_space<vmem>>, %arg3: memref<24x128xf32, #tpu.memory_space<vmem>>, %arg4: memref<128x128xf32, #tpu.memory_space<vmem>>, %arg5: memref<128x128xf32, #tpu.memory_space<vmem>>, %arg6: memref<1x128xf32, #tpu.memory_space<vmem>>, %arg7: memref<1000x144xf32, #tpu.memory_space<vmem>>, %arg8: memref<1000x128xf32, #tpu.memory_space<vmem>>) attributes {dimension_semantics = [#tpu.dimension_semantics<arbitrary>], iteration_bounds = array<i64: 10>, scalar_prefetch = 0 : i64, scratch_operands = 0 : i64, tpu.core_type = #tpu.core_type<tc>, window_params = [{transform_indices = @transform_0, window_bounds = array<i64: 1000, 128>}, {transform_indices = @transform_1, window_bounds = array<i64: 1000, 1>}, {pipeline_mode = #tpu.pipeline_mode<synchronous>, transform_indices = @transform_2, window_bounds = array<i64: 24, 128>}, {pipeline_mode = #tpu.pipeline_mode<synchronous>, transform_indices = @transform_3, window_bounds = array<i64: 128, 128>}, {pipeline_mode = #tpu.pipeline_mode<synchronous>, transform_indices = @transform_4, window_bounds = array<i64: 128, 128>}, {pipeline_mode = #tpu.pipeline_mode<synchronous>, transform_indices = @transform_5, window_bounds = array<i64: 1, 128>}, {transform_indices = @transform_6, window_bounds = array<i64: 1000, 144>}, {transform_indices = @transform_7, window_bounds = array<i64: 1000, 128>}]} {
    %get3A = arith.constant 0 : index
    %get3A_0 = arith.constant 0 : index
    %get3A_1 = vector.load %arg2[%get3A, %get3A_0] : memref<1000x1xi32, #tpu.memory_space<vmem>>, vector<1000x1xi32>
    %iota3A = tpu.iota {dimensions = array<i32: 1>} : vector<1000x24xi32>
    %eq3A = vector.broadcast %get3A_1 : vector<1000x1xi32> to vector<1000x24xi32>
    %eq3A_2 = arith.cmpi eq, %eq3A, %iota3A : vector<1000x24xi32>
    %convert_element_type3A = arith.extui %eq3A_2 : vector<1000x24xi1> to vector<1000x24xi32>
    %convert_element_type3A_3 = arith.sitofp %convert_element_type3A : vector<1000x24xi32> to vector<1000x24xf32>
    %get3A_4 = arith.constant 0 : index
    %get3A_5 = arith.constant 0 : index
    %get3A_6 = vector.load %arg3[%get3A_4, %get3A_5] : memref<24x128xf32, #tpu.memory_space<vmem>>, vector<24x128xf32>
    %dot_general3A = arith.constant dense<0.000000e+00> : vector<1000x128xf32>
    %dot_general3A_7 = tpu.matmul %convert_element_type3A_3, %get3A_6, %dot_general3A {dimension_numbers = #tpu.dot_dimension_numbers<[1], [0], [0], [1], [0, 0, 1, 1], [], []>, transpose_lhs_hint = false} : vector<1000x24xf32>, vector<24x128xf32>, vector<1000x128xf32> -> vector<1000x128xf32>
    %get3A_8 = arith.constant 0 : index
    %get3A_9 = arith.constant 0 : index
    %get3A_10 = vector.load %arg1[%get3A_8, %get3A_9] : memref<1000x128xf32, #tpu.memory_space<vmem>>, vector<1000x128xf32>
    %logistic3A = arith.negf %dot_general3A_7 : vector<1000x128xf32>
    %logistic3A_11 = math.exp %logistic3A : vector<1000x128xf32>
    %logistic3A_12 = arith.constant 1.000000e+00 : f32
    %logistic3A_13 = vector.broadcast %logistic3A_12 : f32 to vector<1000x128xf32>
    %logistic3A_14 = arith.addf %logistic3A_13, %logistic3A_11 : vector<1000x128xf32>
    %logistic3A_15 = arith.divf %logistic3A_13, %logistic3A_14 : vector<1000x128xf32>
    %mul3A = arith.mulf %get3A_10, %logistic3A_15 : vector<1000x128xf32>
    %get3A_16 = arith.constant 0 : index
    %get3A_17 = arith.constant 0 : index
    %get3A_18 = vector.load %arg5[%get3A_16, %get3A_17] : memref<128x128xf32, #tpu.memory_space<vmem>>, vector<128x128xf32>
    %dot_general3A_19 = arith.constant dense<0.000000e+00> : vector<1000x128xf32>
    %dot_general3A_20 = tpu.matmul %mul3A, %get3A_18, %dot_general3A_19 {dimension_numbers = #tpu.dot_dimension_numbers<[1], [0], [0], [1], [0, 0, 1, 1], [], []>, transpose_lhs_hint = false} : vector<1000x128xf32>, vector<128x128xf32>, vector<1000x128xf32> -> vector<1000x128xf32>
    %swap3A = arith.constant 0 : index
    %swap3A_21 = arith.constant 0 : index
    %swap3A_22 = vector.load %arg7[%swap3A, %swap3A_21] : memref<1000x144xf32, #tpu.memory_space<vmem>>, vector<1000x128xf32>
    tpu.vector_store %arg7[%swap3A, %swap3A_21], %dot_general3A_20 {strides = array<i32>} : memref<1000x144xf32, #tpu.memory_space<vmem>>, vector<1000x128xf32>,
    %broadcast_in_dim3A = arith.constant 1.000000e+00 : f32
    %broadcast_in_dim3A_23 = vector.broadcast %broadcast_in_dim3A : f32 to vector<1000x16xf32>
    %swap3A_24 = arith.constant 0 : index
    %swap3A_25 = arith.constant 128 : index
    %swap3A_26 = vector.load %arg7[%swap3A_24, %swap3A_25] : memref<1000x144xf32, #tpu.memory_space<vmem>>, vector<1000x16xf32>
    tpu.vector_store %arg7[%swap3A_24, %swap3A_25], %broadcast_in_dim3A_23 {strides = array<i32>} : memref<1000x144xf32, #tpu.memory_space<vmem>>, vector<1000x16xf32>,
    %get3A_27 = arith.constant 0 : index
    %get3A_28 = arith.constant 0 : index
    %get3A_29 = vector.load %arg4[%get3A_27, %get3A_28] : memref<128x128xf32, #tpu.memory_space<vmem>>, vector<128x128xf32>
    %dot_general3A_30 = arith.constant dense<0.000000e+00> : vector<1000x128xf32>
    %dot_general3A_31 = tpu.matmul %mul3A, %get3A_29, %dot_general3A_30 {dimension_numbers = #tpu.dot_dimension_numbers<[1], [0], [0], [1], [0, 0, 1, 1], [], []>, transpose_lhs_hint = false} : vector<1000x128xf32>, vector<128x128xf32>, vector<1000x128xf32> -> vector<1000x128xf32>
    %get3A_32 = arith.constant 0 : index
    %get3A_33 = arith.constant 0 : index
    %get3A_34 = vector.load %arg6[%get3A_32, %get3A_33] : memref<1x128xf32, #tpu.memory_space<vmem>>, vector<1x128xf32>
    %add3A = vector.broadcast %get3A_34 : vector<1x128xf32> to vector<1000x128xf32>
    %add3A_35 = arith.addf %dot_general3A_31, %add3A : vector<1000x128xf32>
    %swap3A_36 = arith.constant 0 : index
    %swap3A_37 = arith.constant 0 : index
    %swap3A_38 = vector.load %arg8[%swap3A_36, %swap3A_37] : memref<1000x128xf32, #tpu.memory_space<vmem>>, vector<1000x128xf32>
    tpu.vector_store %arg8[%swap3A_36, %swap3A_37], %add3A_35 {strides = array<i32>} : memref<1000x128xf32, #tpu.memory_space<vmem>>, vector<1000x128xf32>,
    return
  }
  func.func @transform_0(%arg0: i32) -> (i32, i32) {
    %c0_i32 = arith.constant 0 : i32
    %c0_i32_0 = arith.constant 0 : i32
    return %arg0, %c0_i32 : i32, i32
  }
  func.func @transform_1(%arg0: i32) -> (i32, i32) {
    %c0_i32 = arith.constant 0 : i32
    %c0_i32_0 = arith.constant 0 : i32
    return %arg0, %c0_i32 : i32, i32
  }
  func.func @transform_2(%arg0: i32) -> (i32, i32) {
    %c0_i32 = arith.constant 0 : i32
    %c0_i32_0 = arith.constant 0 : i32
    %c0_i32_1 = arith.constant 0 : i32
    return %c0_i32, %c0_i32_0 : i32, i32
  }
  func.func @transform_3(%arg0: i32) -> (i32, i32) {
    %c0_i32 = arith.constant 0 : i32
    %c0_i32_0 = arith.constant 0 : i32
    %c0_i32_1 = arith.constant 0 : i32
    return %c0_i32, %c0_i32_0 : i32, i32
  }
  func.func @transform_4(%arg0: i32) -> (i32, i32) {
    %c0_i32 = arith.constant 0 : i32
    %c0_i32_0 = arith.constant 0 : i32
    %c0_i32_1 = arith.constant 0 : i32
    return %c0_i32, %c0_i32_0 : i32, i32
  }
  func.func @transform_5(%arg0: i32) -> (i32, i32) {
    %c0_i32 = arith.constant 0 : i32
    %c0_i32_0 = arith.constant 0 : i32
    %c0_i32_1 = arith.constant 0 : i32
    return %c0_i32, %c0_i32_0 : i32, i32
  }
  func.func @transform_6(%arg0: i32) -> (i32, i32) {
    %c0_i32 = arith.constant 0 : i32
    %c0_i32_0 = arith.constant 0 : i32
    return %arg0, %c0_i32 : i32, i32
  }
  func.func @transform_7(%arg0: i32) -> (i32, i32) {
    %c0_i32 = arith.constant 0 : i32
    %c0_i32_0 = arith.constant 0 : i32
    return %arg0, %c0_i32 : i32, i32
  }
}

module attributes {stable_mosaic.version = 14 : i64} {
  func.func @_k2_body(%arg0: i32, %arg1: memref<1000x144xf32, #tpu.memory_space<vmem>>, %arg2: memref<1000x144xf32, #tpu.memory_space<vmem>>, %arg3: memref<1000x128xf32, #tpu.memory_space<vmem>>, %arg4: memref<128x16xf32, #tpu.memory_space<vmem>>, %arg5: memref<128x16xf32, #tpu.memory_space<vmem>>, %arg6: memref<1x16xf32, #tpu.memory_space<vmem>>, %arg7: memref<1000x16xf32, #tpu.memory_space<vmem>>, %arg8: memref<1000x16xf32, #tpu.memory_space<vmem>>, %arg9: memref<1000x16xf32, #tpu.memory_space<vmem>>) attributes {dimension_semantics = [#tpu.dimension_semantics<arbitrary>], iteration_bounds = array<i64: 10>, scalar_prefetch = 0 : i64, scratch_operands = 0 : i64, tpu.core_type = #tpu.core_type<tc>, window_params = [{transform_indices = @transform_0, window_bounds = array<i64: 1000, 144>}, {transform_indices = @transform_1, window_bounds = array<i64: 1000, 144>}, {transform_indices = @transform_2, window_bounds = array<i64: 1000, 128>}, {pipeline_mode = #tpu.pipeline_mode<synchronous>, transform_indices = @transform_3, window_bounds = array<i64: 128, 16>}, {pipeline_mode = #tpu.pipeline_mode<synchronous>, transform_indices = @transform_4, window_bounds = array<i64: 128, 16>}, {pipeline_mode = #tpu.pipeline_mode<synchronous>, transform_indices = @transform_5, window_bounds = array<i64: 1, 16>}, {transform_indices = @transform_6, window_bounds = array<i64: 1000, 16>}, {transform_indices = @transform_7, window_bounds = array<i64: 1000, 16>}, {transform_indices = @transform_8, window_bounds = array<i64: 1000, 16>}]} {
    %get3A = arith.constant 0 : index
    %get3A_0 = arith.constant 0 : index
    %get3A_1 = vector.load %arg1[%get3A, %get3A_0] : memref<1000x144xf32, #tpu.memory_space<vmem>>, vector<1000x144xf32>
    %get3A_2 = arith.constant 0 : index
    %get3A_3 = arith.constant 0 : index
    %get3A_4 = vector.load %arg2[%get3A_2, %get3A_3] : memref<1000x144xf32, #tpu.memory_space<vmem>>, vector<1000x144xf32>
    %add3A = arith.addf %get3A_1, %get3A_4 : vector<1000x144xf32>
    %slice3A = vector.extract_strided_slice %add3A {offsets = [0, 128], sizes = [1000, 1], strides = [1, 1]} : vector<1000x144xf32> to vector<1000x1xf32>
    %max3A = arith.constant 1.000000e+00 : f32
    %max3A_5 = vector.broadcast %max3A : f32 to vector<1000x1xf32>
    %max3A_6 = arith.maximumf %slice3A, %max3A_5 : vector<1000x1xf32>
    %div3A = arith.constant 1.000000e+00 : f32
    %div3A_7 = vector.broadcast %div3A : f32 to vector<1000x1xf32>
    %div3A_8 = arith.divf %div3A_7, %max3A_6 : vector<1000x1xf32>
    %get3A_9 = arith.constant 0 : index
    %get3A_10 = arith.constant 0 : index
    %get3A_11 = vector.load %arg3[%get3A_9, %get3A_10] : memref<1000x128xf32, #tpu.memory_space<vmem>>, vector<1000x128xf32>
    %slice3A_12 = vector.extract_strided_slice %add3A {offsets = [0, 0], sizes = [1000, 128], strides = [1, 1]} : vector<1000x144xf32> to vector<1000x128xf32>
    %mul3A = vector.broadcast %div3A_8 : vector<1000x1xf32> to vector<1000x128xf32>
    %mul3A_13 = arith.mulf %slice3A_12, %mul3A : vector<1000x128xf32>
    %add3A_14 = arith.addf %get3A_11, %mul3A_13 : vector<1000x128xf32>
    %max3A_15 = arith.constant 0.000000e+00 : f32
    %max3A_16 = vector.broadcast %max3A_15 : f32 to vector<1000x128xf32>
    %max3A_17 = arith.maximumf %add3A_14, %max3A_16 : vector<1000x128xf32>
    %get3A_18 = arith.constant 0 : index
    %get3A_19 = arith.constant 0 : index
    %get3A_20 = vector.load %arg5[%get3A_18, %get3A_19] : memref<128x16xf32, #tpu.memory_space<vmem>>, vector<128x16xf32>
    %dot_general3A = arith.constant dense<0.000000e+00> : vector<1000x16xf32>
    %dot_general3A_21 = tpu.matmul %max3A_17, %get3A_20, %dot_general3A {dimension_numbers = #tpu.dot_dimension_numbers<[1], [0], [0], [1], [0, 0, 1, 1], [], []>, transpose_lhs_hint = false} : vector<1000x128xf32>, vector<128x16xf32>, vector<1000x16xf32> -> vector<1000x16xf32>
    %swap3A = arith.constant 0 : index
    %swap3A_22 = arith.constant 0 : index
    %swap3A_23 = vector.load %arg7[%swap3A, %swap3A_22] : memref<1000x16xf32, #tpu.memory_space<vmem>>, vector<1000x16xf32>
    tpu.vector_store %arg7[%swap3A, %swap3A_22], %dot_general3A_21 {strides = array<i32>} : memref<1000x16xf32, #tpu.memory_space<vmem>>, vector<1000x16xf32>,
    %get3A_24 = arith.constant 0 : index
    %get3A_25 = arith.constant 0 : index
    %get3A_26 = vector.load %arg4[%get3A_24, %get3A_25] : memref<128x16xf32, #tpu.memory_space<vmem>>, vector<128x16xf32>
    %dot_general3A_27 = arith.constant dense<0.000000e+00> : vector<1000x16xf32>
    %dot_general3A_28 = tpu.matmul %max3A_17, %get3A_26, %dot_general3A_27 {dimension_numbers = #tpu.dot_dimension_numbers<[1], [0], [0], [1], [0, 0, 1, 1], [], []>, transpose_lhs_hint = false} : vector<1000x128xf32>, vector<128x16xf32>, vector<1000x16xf32> -> vector<1000x16xf32>
    %get3A_29 = arith.constant 0 : index
    %get3A_30 = arith.constant 0 : index
    %get3A_31 = vector.load %arg6[%get3A_29, %get3A_30] : memref<1x16xf32, #tpu.memory_space<vmem>>, vector<1x16xf32>
    %add3A_32 = vector.broadcast %get3A_31 : vector<1x16xf32> to vector<1000x16xf32>
    %add3A_33 = arith.addf %dot_general3A_28, %add3A_32 : vector<1000x16xf32>
    %swap3A_34 = arith.constant 0 : index
    %swap3A_35 = arith.constant 0 : index
    %swap3A_36 = vector.load %arg8[%swap3A_34, %swap3A_35] : memref<1000x16xf32, #tpu.memory_space<vmem>>, vector<1000x16xf32>
    tpu.vector_store %arg8[%swap3A_34, %swap3A_35], %add3A_33 {strides = array<i32>} : memref<1000x16xf32, #tpu.memory_space<vmem>>, vector<1000x16xf32>,
    %broadcast_in_dim3A = vector.shape_cast %div3A_8 : vector<1000x1xf32> to vector<1000x1xf32>
    %broadcast_in_dim3A_37 = vector.broadcast %broadcast_in_dim3A : vector<1000x1xf32> to vector<1000x16xf32>
    %swap3A_38 = arith.constant 0 : index
    %swap3A_39 = arith.constant 0 : index
    %swap3A_40 = vector.load %arg9[%swap3A_38, %swap3A_39] : memref<1000x16xf32, #tpu.memory_space<vmem>>, vector<1000x16xf32>
    tpu.vector_store %arg9[%swap3A_38, %swap3A_39], %broadcast_in_dim3A_37 {strides = array<i32>} : memref<1000x16xf32, #tpu.memory_space<vmem>>, vector<1000x16xf32>,
    return
  }
  func.func @transform_0(%arg0: i32) -> (i32, i32) {
    %c0_i32 = arith.constant 0 : i32
    %c0_i32_0 = arith.constant 0 : i32
    return %arg0, %c0_i32 : i32, i32
  }
  func.func @transform_1(%arg0: i32) -> (i32, i32) {
    %c0_i32 = arith.constant 0 : i32
    %c0_i32_0 = arith.constant 0 : i32
    return %arg0, %c0_i32 : i32, i32
  }
  func.func @transform_2(%arg0: i32) -> (i32, i32) {
    %c0_i32 = arith.constant 0 : i32
    %c0_i32_0 = arith.constant 0 : i32
    return %arg0, %c0_i32 : i32, i32
  }
  func.func @transform_3(%arg0: i32) -> (i32, i32) {
    %c0_i32 = arith.constant 0 : i32
    %c0_i32_0 = arith.constant 0 : i32
    %c0_i32_1 = arith.constant 0 : i32
    return %c0_i32, %c0_i32_0 : i32, i32
  }
  func.func @transform_4(%arg0: i32) -> (i32, i32) {
    %c0_i32 = arith.constant 0 : i32
    %c0_i32_0 = arith.constant 0 : i32
    %c0_i32_1 = arith.constant 0 : i32
    return %c0_i32, %c0_i32_0 : i32, i32
  }
  func.func @transform_5(%arg0: i32) -> (i32, i32) {
    %c0_i32 = arith.constant 0 : i32
    %c0_i32_0 = arith.constant 0 : i32
    %c0_i32_1 = arith.constant 0 : i32
    return %c0_i32, %c0_i32_0 : i32, i32
  }
  func.func @transform_6(%arg0: i32) -> (i32, i32) {
    %c0_i32 = arith.constant 0 : i32
    %c0_i32_0 = arith.constant 0 : i32
    return %arg0, %c0_i32 : i32, i32
  }
  func.func @transform_7(%arg0: i32) -> (i32, i32) {
    %c0_i32 = arith.constant 0 : i32
    %c0_i32_0 = arith.constant 0 : i32
    return %arg0, %c0_i32 : i32, i32
  }
  func.func @transform_8(%arg0: i32) -> (i32, i32) {
    %c0_i32 = arith.constant 0 : i32
    %c0_i32_0 = arith.constant 0 : i32
    return %arg0, %c0_i32 : i32, i32
  }
}

module attributes {stable_mosaic.version = 14 : i64} {
  func.func @_k3_body(%arg0: i32, %arg1: memref<1000x16xf32, #tpu.memory_space<vmem>>, %arg2: memref<1000x16xf32, #tpu.memory_space<vmem>>, %arg3: memref<1000x16xf32, #tpu.memory_space<vmem>>, %arg4: memref<1000x16xf32, #tpu.memory_space<vmem>>, %arg5: memref<1000x16xf32, #tpu.memory_space<vmem>>) attributes {dimension_semantics = [#tpu.dimension_semantics<arbitrary>], iteration_bounds = array<i64: 10>, scalar_prefetch = 0 : i64, scratch_operands = 0 : i64, tpu.core_type = #tpu.core_type<tc>, window_params = [{transform_indices = @transform_0, window_bounds = array<i64: 1000, 16>}, {transform_indices = @transform_1, window_bounds = array<i64: 1000, 16>}, {transform_indices = @transform_2, window_bounds = array<i64: 1000, 16>}, {transform_indices = @transform_3, window_bounds = array<i64: 1000, 16>}, {transform_indices = @transform_4, window_bounds = array<i64: 1000, 16>}]} {
    %get3A = arith.constant 0 : index
    %get3A_0 = arith.constant 0 : index
    %get3A_1 = vector.load %arg3[%get3A, %get3A_0] : memref<1000x16xf32, #tpu.memory_space<vmem>>, vector<1000x16xf32>
    %get3A_2 = arith.constant 0 : index
    %get3A_3 = arith.constant 0 : index
    %get3A_4 = vector.load %arg1[%get3A_2, %get3A_3] : memref<1000x16xf32, #tpu.memory_space<vmem>>, vector<1000x16xf32>
    %get3A_5 = arith.constant 0 : index
    %get3A_6 = arith.constant 0 : index
    %get3A_7 = vector.load %arg2[%get3A_5, %get3A_6] : memref<1000x16xf32, #tpu.memory_space<vmem>>, vector<1000x16xf32>
    %add3A = arith.addf %get3A_4, %get3A_7 : vector<1000x16xf32>
    %get3A_8 = arith.constant 0 : index
    %get3A_9 = arith.constant 0 : index
    %get3A_10 = vector.load %arg4[%get3A_8, %get3A_9] : memref<1000x16xf32, #tpu.memory_space<vmem>>, vector<1000x16xf32>
    %mul3A = arith.mulf %add3A, %get3A_10 : vector<1000x16xf32>
    %add3A_11 = arith.addf %get3A_1, %mul3A : vector<1000x16xf32>
    %swap3A = arith.constant 0 : index
    %swap3A_12 = arith.constant 0 : index
    %swap3A_13 = vector.load %arg5[%swap3A, %swap3A_12] : memref<1000x16xf32, #tpu.memory_space<vmem>>, vector<1000x16xf32>
    tpu.vector_store %arg5[%swap3A, %swap3A_12], %add3A_11 {strides = array<i32>} : memref<1000x16xf32, #tpu.memory_space<vmem>>, vector<1000x16xf32>,
    return
  }
  func.func @transform_0(%arg0: i32) -> (i32, i32) {
    %c0_i32 = arith.constant 0 : i32
    %c0_i32_0 = arith.constant 0 : i32
    return %arg0, %c0_i32 : i32, i32
  }
  func.func @transform_1(%arg0: i32) -> (i32, i32) {
    %c0_i32 = arith.constant 0 : i32
    %c0_i32_0 = arith.constant 0 : i32
    return %arg0, %c0_i32 : i32, i32
  }
  func.func @transform_2(%arg0: i32) -> (i32, i32) {
    %c0_i32 = arith.constant 0 : i32
    %c0_i32_0 = arith.constant 0 : i32
    return %arg0, %c0_i32 : i32, i32
  }
  func.func @transform_3(%arg0: i32) -> (i32, i32) {
    %c0_i32 = arith.constant 0 : i32
    %c0_i32_0 = arith.constant 0 : i32
    return %arg0, %c0_i32 : i32, i32
  }
  func.func @transform_4(%arg0: i32) -> (i32, i32) {
    %c0_i32 = arith.constant 0 : i32
    %c0_i32_0 = arith.constant 0 : i32
    return %arg0, %c0_i32 : i32, i32
  }
}

</mosaic_0001>

<sc_bundles>
// kernel: kernel.10.cloned.1.call-start
scs
__scs_entry_jumppad:
0x0: {  	(pc) =	sbr.rel $0x88, $3  }
0x1: {  	(tag) =	ssettag $0x0;
	lr =	simm.s32 $0x1  }
0x2: {  	[smem:$0x3F97] =	sst lr;
	_ =	strace $0xD0000000  }
0x3: {  	_ = 	snop  }
0x4: {  	_ = 	snop  }
0x5: {  	_ = 	snop  }
0x6: {  	_ = 	snop  }
0x7: {  	_ = 	snop  }
__scs_overlays_trampoline_lowered:
0x8: {  	[smem:$0x3FA6] =	sst s0  }
0x9: {  	[smem:$0x3FA7] =	sst s1  }
0xa: {  	[smem:$0x3FA8] =	sst s2  }
0xb: {  	[smem:$0x3FA9] =	sst s3  }
0xc: {  	[smem:$0x3FAA] =	sst s4  }
0xd: {  	[smem:$0x3FAB] =	sst s5  }
0xe: {  	[smem:$0x3FAC] =	sst s6  }
0xf: {  	[smem:$0x3FAD] =	sst s7  }
0x10: {  	[smem:$0x3FAE] =	sst s8  }
0x11: {  	[smem:$0x3FAF] =	sst s9;
	s0 =	simm.s32 @!p0 $0x0  }
0x12: {  	s1 =	sld [smem:$0x3F95];
	s0 =	simm.s32 @p0 $0x1  }
0x13: {  	[smem:$0x3FB0] =	sst s0;
	s0 =	simm.s32 @!p1 $0x0  }
0x14: {  	s2 =	sld [smem:$0x3F94];
	s0 =	simm.s32 @p1 $0x1  }
0x15: {  	[smem:$0x3FB1] =	sst s0;
	s0 =	simm.s32 @!p2 $0x0  }
0x16: {  	s3 =	sld [smem:$0x3FDB];
	s0 =	simm.s32 @p2 $0x1  }
0x17: {  	s4 =	simm.s32 $0x1BF5;
	[smem:$0x3FB3] =	sst s0  }
0x18: {  	s0 =	sld [smem:$0x3F96];
	_ =	swait.ge [sflag:s4], $0x0  }
0x19: {  	s7 =	sld [smem:$0x3F97]  }
0x1a: {  	s8 =	sadd.s32 $0xFFFFE003, lr  }
0x1b: {  	s9 =	sadd.s32 $0xFFFFFEF7, lr;
	s5 =	simm.s32 $0xFFFFFFFF;
	p2 =	slt.u32 s8, $0xFFFFF086  }
0x1c: {  	p1 =	slt.u32 s9, $0xF7A;
	s5 =	simm.s32 @!p2 $0x0  }
0x1d: {  	s5 =	simm.s32 @p1 $0x1;
	p0 =	seq.s32 s7, s2  }
0x1e: {  	s7 =	smul.u32 @!p0 $0xF7A, s2;
	p2 =	seq.s32 @!p0 s5, $0x0  }
0x1f: {  	s9 =	smul.u32 $0xF7A, s1;
	s8 =	simm.s32 @!p0 $0x1BF5;
	p2 =	por !p2, p0  }
0x20: {  	[sflag:s8] =	ssyncset.s32 @!p0 $0xFFFFF086;
	s6 =	sadd.s32 @!p0 s3, s7;
	s7 =	simm.s32 @!p0 $0x108  }
0x21: {  	s3 =	sadd.s32 s3, s9;
	s6 =	sadd.s32 @!p0 $0x88, s6;
	s7 =	simm.s32 @p2 $0x1082  }
0x22: {  	[simem:s7], [sflag:s8] =	dma.local @!p0 [hbm:s6], $0xF7A  }
0x23: {  	s9 =	sor.u32 $0xD0000000, s2;
	s6 =	simm.s32 $0x108;
	_ =	swait.ge @!p0 [sflag:s8], $0x0  }
0x24: {  	s3 =	sadd.s32 $0x88, s3;
	s6 =	simm.s32 @!p1 $0x1082;
	[sflag:s4] =	ssyncset.s32 $0xFFFFF086  }
0x25: {  	[simem:s6], [sflag:s4] =	dma.local [hbm:s3], $0xF7A  }
0x26: {  	[smem:$0x3F97] =	sst s1;
	(tag) =	ssettag s2;
	_ =	strace s9  }
0x27: {  	s1 =	sld [smem:$0x3FA7]  }
0x28: {  	s2 =	sld [smem:$0x3FA8]  }
0x29: {  	s4 =	sld [smem:$0x3FAA]  }
0x2a: {  	p0 =	seq.s32 s5, $0x0;
	s5 =	sld [smem:$0x3FAB]  }
0x2b: {  	s6 =	sld [smem:$0x3FAC]  }
0x2c: {  	s7 =	sld [smem:$0x3FAD]  }
0x2d: {  	s3 =	simm.s32 $0x108;
	s8 =	sld [smem:$0x3FAE]  }
0x2e: {  	s3 =	simm.s32 @!p0 $0x1082;
	s9 =	sld [smem:$0x3FAF]  }
0x2f: {  	lr =	sadd.s32 s0, s3;
	s0 =	sld [smem:$0x3FA6]  }
0x30: {  	s3 =	sld [smem:$0x3FA9]  }
0x31: {  	[smem:$0x3FB2] =	sst s10  }
0x32: {  	s10 =	sld [smem:$0x3FB0];
	_ =	sdelay $0x3  }
0x33: {  	p0 =	seq.s32 s10, $0x1;
	s10 =	sld [smem:$0x3FB2];
	_ =	sdelay $0x3  }
0x34: {  	[smem:$0x3FB2] =	sst s10  }
0x35: {  	s10 =	sld [smem:$0x3FB1];
	_ =	sdelay $0x3  }
0x36: {  	p1 =	seq.s32 s10, $0x1;
	s10 =	sld [smem:$0x3FB2];
	_ =	sdelay $0x3  }
0x37: {  	[smem:$0x3FB2] =	sst s10  }
0x38: {  	s10 =	sld [smem:$0x3FB3]  }
0x39: {  	_ = 	snop;
	(pc) =	sbr.ind lr, $3  }
0x3a: {  	_ = 	snop  }
0x3b: {  	_ = 	snop  }
0x3c: {  	p2 =	seq.s32 s10, $0x1;
	s10 =	sld [smem:$0x3FB2]  }
0x3d: {  	_ =	shalt  }
0x3e: {  	_ =	shalt  }
0x3f: {  	_ =	shalt  }
0x40: {  	_ =	shalt  }
0x41: {  	_ =	shalt  }
0x42: {  	_ =	shalt  }
0x43: {  	_ =	shalt  }
0x44: {  	_ =	shalt  }
0x45: {  	_ =	shalt  }
0x46: {  	_ =	shalt  }
0x47: {  	_ =	shalt  }
0x48: {  	_ =	shalt  }
0x49: {  	_ =	shalt  }
0x4a: {  	_ =	shalt  }
0x4b: {  	_ =	shalt  }
0x4c: {  	_ =	shalt  }
0x4d: {  	_ =	shalt  }
0x4e: {  	_ =	shalt  }
0x4f: {  	_ =	shalt  }
0x50: {  	_ =	shalt  }
0x51: {  	_ =	shalt  }
0x52: {  	_ =	shalt  }
0x53: {  	_ =	shalt  }
0x54: {  	_ =	shalt  }
0x55: {  	_ =	shalt  }
0x56: {  	_ =	shalt  }
0x57: {  	_ =	shalt  }
0x58: {  	_ =	shalt  }
0x59: {  	_ =	shalt  }
0x5a: {  	_ =	shalt  }
0x5b: {  	_ =	shalt  }
0x5c: {  	_ =	shalt  }
0x5d: {  	_ =	shalt  }
0x5e: {  	_ =	shalt  }
0x5f: {  	_ =	shalt  }
0x60: {  	_ =	shalt  }
0x61: {  	_ =	shalt  }
0x62: {  	_ =	shalt  }
0x63: {  	_ =	shalt  }
0x64: {  	_ =	shalt  }
0x65: {  	_ =	shalt  }
0x66: {  	_ =	shalt  }
0x67: {  	_ =	shalt  }
0x68: {  	_ =	shalt  }
0x69: {  	_ =	shalt  }
0x6a: {  	_ =	shalt  }
0x6b: {  	_ =	shalt  }
0x6c: {  	_ =	shalt  }
0x6d: {  	_ =	shalt  }
0x6e: {  	_ =	shalt  }
0x6f: {  	_ =	shalt  }
0x70: {  	_ =	shalt  }
0x71: {  	_ =	shalt  }
0x72: {  	_ =	shalt  }
0x73: {  	_ =	shalt  }
0x74: {  	_ =	shalt  }
0x75: {  	_ =	shalt  }
0x76: {  	_ =	shalt  }
0x77: {  	_ =	shalt  }
0x78: {  	_ =	shalt  }
0x79: {  	_ =	shalt  }
0x7a: {  	_ =	shalt  }
0x7b: {  	_ =	shalt  }
0x7c: {  	_ =	shalt  }
0x7d: {  	_ =	shalt  }
0x7e: {  	_ =	shalt  }
0x7f: {  	_ =	shalt  }
0x80: {  	_ =	shalt  }
0x81: {  	_ =	shalt  }
0x82: {  	_ =	shalt  }
0x83: {  	_ =	shalt  }
0x84: {  	_ =	shalt  }
0x85: {  	_ =	shalt  }
0x86: {  	_ =	shalt  }
0x87: {  	_ =	shalt  }
.Lfunc_end0:
.L_simem_size_0:
called_computation.1_lowered:
.L_overlay_start_0:
0x88: {  	s2 =	sld [smem:$0x3FD9]  }
0x89: {  	s3 =	sld [smem:$0x3FFE];
	_ =	sdelay $0x1  }
0x8a: {  	s1 =	srdreg.scid  }
0x8b: {  	s0 =	sand.u32 $0x1, s1  }
0x8c: {  	s17 =	sshll.u32 s0, $0xA;
	s2 =	sadd.s32 s3, s2  }
0x8d: {  	s2 =	sadd.s32 s2, s17  }
0x8e: {  	[smem:$0x3FBE] =	sst s2  }
0x8f: {  	_ = 	snop  }
0x90: {  	s2 =	sld [smem:$0x3FD0];
	(tm) =	ssettm $0x1  }
0x91: {  	s18 =	sld [smem:$0x3FFB];
	_ =	sdelay $0x3  }
0x92: {  	_ =	strace s18  }
0x93: {  	s3 =	sld [smem:$0x3FFC];
	_ =	sdelay $0x3  }
0x94: {  	_ =	strace s3  }
0x95: {  	s3 =	sld [smem:$0x3FFD];
	_ =	sdelay $0x3  }
0x96: {  	_ =	strace s3  }
0x97: {  	_ =	strace $0x8FFFFFFF  }
0x98: {  	s19 =	sld [smem:$0x3FDB];
	_ =	sdelay $0x1  }
0x99: {  	s4 =	simm.s32 $_scs_section_size  }
0x9a: {  	s5 =	simm.s32 $_size__tile_overlayer_lowered;
	s6 =	simm.s32 $_tile_overlayer_lowered  }
0x9b: {  	s22 =	simm.s32 $0x1BFF;
	s21 =	sshll.u32 s6, $0x1;
	s3 =	sadd.s32 s4, s19  }
0x9c: {  	s7 =	simm.s32 $0x0;
	s20 =	sshll.u32 s5, $0x1;
	s5 =	sadd.s32 s21, s3  }
0x9d: {  	[timem:s7], [sflag:s22] =	dma.local [hbm:s5], s20  }
0x9e: {  	_ =	swait.ge [sflag:s22], s20  }
0x9f: {  	s4 =	ssub.s32 $0x0, s20;
	[sflag:s22] =	ssyncset.done $0x0  }
0xa0: {  	[sflag:s22] =	ssyncadd.s32 s4;
	_ =	sdelay $0x1  }
0xa1: {  	s23 =	simm.s32 $0x1B8B  }
0xa2: {  	_ =	swait.ge [sflag:s23], $0x1  }
0xa3: {  	[sflag:s23] =	ssyncset.done $0x0  }
0xa4: {  	s25 =	simm.s32 $0x1B8E;
	s24 =	sld [smem:$0x3FFE];
	[sflag:s23] =	ssyncadd.s32 $0xFFFFFFFF  }
0xa5: {  	s26 =	simm.s32 $execute0_lowered;
	[smem:$0x3FD2] =	sst s25  }
0xa6: {  	s5 =	sshll.u32 s26, $0x1;
	_ =	strace $0x80000049;
	[dreg:$0x1] =	wrdreg $0xFFFFFFFF  }
0xa7: {  	s28 =	simm.s32 $_size_execute0_lowered;
	s3 =	sadd.s32 s3, s5;
	[dreg:$0x0] =	wrdreg $0x0  }
0xa8: {  	s5 =	sshll.u32 s28, $0x1;
	[dreg:$0x2] =	wrdreg s3  }
0xa9: {  	[dreg:$0x3] =	wrdreg s5  }
0xaa: {  	[dreg:$0x4] =	wrdreg $0xC0  }
0xab: {  	_ =	task [dreg:s7], $0x5FFFF  }
0xac: {  	[dreg:$0x1] =	wrdreg $0xFFFFFFFF  }
0xad: {  	[dreg:$0x0] =	wrdreg $0x60  }
0xae: {  	[dreg:$0x2] =	wrdreg s24  }
0xaf: {  	[dreg:$0x3] =	wrdreg s2  }
0xb0: {  	[dreg:$0x4] =	wrdreg $0x70000  }
0xb1: {  	[dreg:$0x5] =	wrdreg $0x9  }
0xb2: {  	_ =	task.clear_ibuf [dreg:s7], $0x6FFFF;
	_ =	strace $0x90000049  }
0xb3: {  	s29 =	simm.s32 $0x9;
	_ =	strace $0x8000004B  }
0xb4: {  	_ =	swait.ge [sflag:s29], $0x1  }
0xb5: {  	[sflag:s29] =	ssyncadd.s32 $0xFFFFFFFF  }
0xb6: {  	_ =	strace $0x9000004B  }
0xb7: {  	_ =	sfence  }
0xb8: {  	s30 =	sld [smem:$0x0];
	_ =	sdelay $0x2  }
0xb9: {  	s31 =	sshll.u32 s1, $0xD;
	s1 =	sshrl.u32 s1, $0x2  }
0xba: {  	s3 =	sand.u32 $0x4000, s31;
	s1 =	sadd.s32 s1, s30  }
0xbb: {  	s0 =	sor.u32 s3, s0;
	s1 =	sshll.u32 s1, $0x11  }
0xbc: {  	s0 =	sor.u32 s1, s0  }
0xbd: {  	s0 =	sadd.s32 $0x8F2B, s0  }
0xbe: {  	[sflag:s0] =	ssyncadd.remote.s32 $0x1  }
0xbf: {  	_ =	sfence.sel $0xFFFF  }
0xc0: {  	[dreg:$0x0] =	wrdreg $0xFFFFFFFF;
	(pc) =	sbr.abs _section_cstart, $3  }
0xc1: {  	[dreg:$0x1] =	wrdreg $0xFFFFFFFF  }
0xc2: {  	_ =	task.clear_ibuf [dreg:s7], $0x2FFFF;
	_ =	strace $0x9FFFFFFF  }
0xc3: {  	(tm) =	ssettm $0x7FFFFFFF  }
tec
execute0_lowered:
.L_overlay_start_1:
0x0: {  	(tag) =	ssettag $0x1  }
0x1: {  	s0 =	rddreg [dreg:$0x0]  }
0x2: {  	s1 =	srdreg.scid;
	s3 =	rddreg [dreg:$0x2]  }
0x3: {  	s7 =	stileid.u32;
	s4 =	simm.s32 $0x0;
	s11 =	simm.s32 $0x9  }
0x4: {  	s12 =	simm.s32 $0x2800;
	s13 =	simm.s32 $0x80;
	s14 =	simm.s32 $0x5000  }
0x5: {  	s15 =	simm.s32 $0x5800;
	s16 =	simm.s32 $0x1;
	s18 =	simm.s32 $0x6000  }
0x6: {  	s19 =	simm.s32 $0x2;
	s22 =	simm.s32 $0x6800;
	s23 =	simm.s32 $0x3  }
0x7: {  	s29 =	simm.s32 $0x4;
	s30 =	simm.s32 $0x2980;
	s31 =	simm.s32 $0x6  }
0x8: {  	s17 =	simm.s32 $0x0;
	s1 =	sand.u32 $0x1, s1;
	[smem:$0x7FF] =	sst s4  }
0x9: {  	s5 =	sadd.s32 $0x29200, s0;
	s9 =	smul.u32 $0x2720, s7;
	s2 =	sshll.u32 s1, $0x4  }
0xa: {  	_ =	strace $0x8000004A;
	s6 =	smul.u32 $0x4E40, s1;
	s1 =	ssub.s32 $0x2, s1  }
0xb: {  	s2 =	sor.u32 s7, s2;
	s26 =	sshrl.u32 s1, $0x1;
	s7 =	sshll.u32 s7, $0x6  }
0xc: {  	s10 =	sadd.s32 s9, s3;
	s28 =	sshrl.u32 s9, $0x3;
	s2 =	smul.u32 $0x500, s2  }
.Ltmp0:
0xd: {  	s1 =	ssub.s32 s1, s26;
	s10 =	sshrl.u32 s10, $0x3;
	(pc) =	sbr.rel .LBB2_1-.Ltmp0, $4  }
0xe: {  	s26 =	simm.s32 $0x5;
	s9 =	smax.u32 s1, $0x1;
	s1 =	simm.s32 $0x7  }
0xf: {  	s2 =	sadd.s32 s2, s0;
	s0 =	sadd.s32 s6, s0;
	s6 =	sor.u32 $0x1C09, s7  }
0x10: {  	s7 =	sadd.s32 $0xADC00, s2;
	s8 =	sadd.s32 $0xB7C00, s2;
	s0 =	sadd.s32 $0x30200, s0  }
0x11: {  	s2 =	simm.s32 $0x8;
	s24 =	sadd.s32 s28, s0;
	s0 =	simm.s32 $0x280  }
.LBB2_4:
0x12: {  	_ =	swait.ge [sflag:s29], $0x800  }
0x13: {  	[sflag:s29] =	ssyncset.done $0x0  }
0x14: {  	[sflag:s29] =	ssyncadd.s32 $0xFFFFF800  }
0x15: {  	[spmem:s3] =	stream.indirect.scatter.add.f32 [tilespmem:s22], [sflag:$0x8], $0x10, s25, s13, $0xb8;
	[tilespmem:$0x9720] =	vst v63  }
0x16: {  	_ =	swait.ge [sflag:s26], $0x800  }
0x17: {  	[sflag:s26] =	ssyncset.done $0x0  }
0x18: {  	[sflag:s26] =	ssyncadd.s32 $0xFFFFF800  }
0x19: {  	_ =	swait.ge [sflag:s31], $0x800  }
0x1a: {  	[sflag:s31] =	ssyncset.done $0x0  }
0x1b: {  	[sflag:s31] =	ssyncadd.s32 $0xFFFFF800  }
0x1c: {  	_ =	swait.ge [sflag:s1], $0x800  }
0x1d: {  	[sflag:s1] =	ssyncset.done $0x0  }
0x1e: {  	[sflag:s1] =	ssyncadd.s32 $0xFFFFF800  }
0x1f: {  	_ =	swait.ge [sflag:s2], $0x800  }
0x20: {  	s17 =	sadd.s32 $0x1, s17;
	[sflag:s2] =	ssyncset.done $0x0  }
0x21: {  	p0 =	sne.s32 s17, s9;
	[sflag:s2] =	ssyncadd.s32 $0xFFFFF800  }
.Ltmp1:
0x22: {  	[bflag:$0x0] =	sbarrier.arrive $0xFFFF;
	(pc) =	sbr.rel @!p0 .LBB2_5-.Ltmp1, $4  }
0x23: {  	[hbm:s24], [sflag:s6] =	dma.local [spmem:s10], $0x4E4  }
0x24: {  	_ =	swait.ge [sflag:s11], $0x4E4  }
0x25: {  	[sflag:s11] =	ssyncset.done $0x0  }
0x26: {  	[sflag:s11] =	ssyncadd.s32 $0xFFFFFB1C  }
.LBB2_1:
0x27: {  	s20 =	rddreg [dreg:$0x1]  }
0x28: {  	[spmem:s10], [sflag:s6] =	dma.local [hbm:s20], $0x4E4  }
0x29: {  	_ =	swait.ge [sflag:s11], $0x4E4  }
0x2a: {  	[sflag:s11] =	ssyncset.done $0x0  }
0x2b: {  	[sflag:s11] =	ssyncadd.s32 $0xFFFFFB1C  }
0x2c: {  	[tilespmem:s4], [sflag:$0x9] =	stream.linear.gather [hbm4b:s7+s4], $0x2800, $0x38;
	[tilespmem:$0x9720] =	vst v63  }
0x2d: {  	_ =	swait.ge [sflag:s11], $0x2800  }
0x2e: {  	[sflag:s11] =	ssyncset.done $0x0  }
0x2f: {  	[sflag:s11] =	ssyncadd.s32 $0xFFFFD800  }
0x30: {  	[tilespmem:s12], [sflag:$0x9] =	stream.linear.gather [hbm4b:s8+s4], $0x2800, $0x38;
	[tilespmem:$0x9720] =	vst v63  }
0x31: {  	_ =	swait.ge [sflag:s11], $0x2800  }
0x32: {  	[sflag:s11] =	ssyncset.done $0x0  }
0x33: {  	[sflag:s11] =	ssyncadd.s32 $0xFFFFD800  }
0x34: {  	[tilespmem:s14], [sflag:$0x1] =	stream.indirect.gather [hbm4b:s5+s13], $0x10, s4, s13, $0xb8;
	[tilespmem:$0x9720] =	vst v63  }
0x35: {  	_ = 	snop  }
0x36: {  	[tilespmem:s15], [sflag:$0x2] =	stream.indirect.gather [hbm4b:s5+s13], $0x10, s13, s13, $0xb8;
	[tilespmem:$0x9720] =	vst v63  }
0x37: {  	[bflag:$0x0] =	sbarrier.arrive $0xFFFF  }
0x38: {  	_ =	swait.ge [sflag:s16], $0x800  }
0x39: {  	[sflag:s16] =	ssyncset.done $0x0  }
0x3a: {  	[sflag:s16] =	ssyncadd.s32 $0xFFFFF800  }
0x3b: {  	[spmem:s3] =	stream.indirect.scatter.add.f32 [tilespmem:s14], [sflag:$0x5], $0x10, s12, s13, $0xb8;
	[tilespmem:$0x9720] =	vst v63  }
0x3c: {  	s25 =	simm.s32 $0x100  }
0x3d: {  	[tilespmem:s18], [sflag:$0x3] =	stream.indirect.gather [hbm4b:s5+s13], $0x10, s25, s13, $0xb8;
	[tilespmem:$0x9720] =	vst v63  }
0x3e: {  	_ =	swait.ge [sflag:s19], $0x800  }
0x3f: {  	[sflag:s19] =	ssyncset.done $0x0  }
0x40: {  	s28 =	simm.s32 $0x2880;
	[sflag:s19] =	ssyncadd.s32 $0xFFFFF800  }
0x41: {  	[spmem:s3] =	stream.indirect.scatter.add.f32 [tilespmem:s15], [sflag:$0x6], $0x10, s28, s13, $0xb8;
	[tilespmem:$0x9720] =	vst v63  }
0x42: {  	s21 =	simm.s32 $0x180  }
0x43: {  	[tilespmem:s22], [sflag:$0x4] =	stream.indirect.gather [hbm4b:s5+s13], $0x10, s21, s13, $0xb8;
	[tilespmem:$0x9720] =	vst v63  }
0x44: {  	_ =	swait.ge [sflag:s23], $0x800  }
0x45: {  	[sflag:s23] =	ssyncset.done $0x0  }
0x46: {  	s25 =	simm.s32 $0x2900;
	[sflag:s23] =	ssyncadd.s32 $0xFFFFF800  }
0x47: {  	[spmem:s3] =	stream.indirect.scatter.add.f32 [tilespmem:s18], [sflag:$0x7], $0x10, s25, s13, $0xb8;
	[tilespmem:$0x9720] =	vst v63  }
0x48: {  	_ =	swait.ge [sflag:s26], $0x800  }
0x49: {  	[sflag:s26] =	ssyncset.done $0x0  }
0x4a: {  	s28 =	simm.s32 $0x200;
	[sflag:s26] =	ssyncadd.s32 $0xFFFFF800  }
0x4b: {  	[tilespmem:s14], [sflag:$0x1] =	stream.indirect.gather [hbm4b:s5+s13], $0x10, s28, s13, $0xb8;
	[tilespmem:$0x9720] =	vst v63  }
0x4c: {  	_ =	swait.ge [sflag:s29], $0x800  }
0x4d: {  	[sflag:s29] =	ssyncset.done $0x0  }
0x4e: {  	[sflag:s29] =	ssyncadd.s32 $0xFFFFF800  }
0x4f: {  	[spmem:s3] =	stream.indirect.scatter.add.f32 [tilespmem:s22], [sflag:$0x8], $0x10, s30, s13, $0xb8;
	[tilespmem:$0x9720] =	vst v63  }
0x50: {  	_ =	swait.ge [sflag:s31], $0x800  }
0x51: {  	[sflag:s31] =	ssyncset.done $0x0  }
0x52: {  	s20 =	simm.s32 $0x0;
	[sflag:s31] =	ssyncadd.s32 $0xFFFFF800  }
0x53: {  	[tilespmem:s15], [sflag:$0x2] =	stream.indirect.gather [hbm4b:s5+s13], $0x10, s0, s13, $0xb8;
	[tilespmem:$0x9720] =	vst v63  }
.LBB2_2:
0x54: {  	_ =	swait.ge [sflag:s16], $0x800  }
0x55: {  	s21 =	sshra.s32 s20, $0x2;
	[sflag:s16] =	ssyncset.done $0x0  }
0x56: {  	s25 =	sadd.s32 $0x2A00, s21;
	[sflag:s16] =	ssyncadd.s32 $0xFFFFF800  }
0x57: {  	[spmem:s3] =	stream.indirect.scatter.add.f32 [tilespmem:s14], [sflag:$0x5], $0x10, s25, s13, $0xb8;
	[tilespmem:$0x9720] =	vst v63  }
0x58: {  	_ =	swait.ge [sflag:s1], $0x800  }
0x59: {  	[sflag:s1] =	ssyncset.done $0x0  }
0x5a: {  	s28 =	sadd.s32 $0x300, s21;
	[sflag:s1] =	ssyncadd.s32 $0xFFFFF800  }
0x5b: {  	[tilespmem:s18], [sflag:$0x3] =	stream.indirect.gather [hbm4b:s5+s13], $0x10, s28, s13, $0xb8;
	[tilespmem:$0x9720] =	vst v63  }
0x5c: {  	_ =	swait.ge [sflag:s19], $0x800  }
0x5d: {  	[sflag:s19] =	ssyncset.done $0x0  }
0x5e: {  	s28 =	sadd.s32 $0x2A80, s21;
	[sflag:s19] =	ssyncadd.s32 $0xFFFFF800  }
0x5f: {  	[spmem:s3] =	stream.indirect.scatter.add.f32 [tilespmem:s15], [sflag:$0x6], $0x10, s28, s13, $0xb8;
	[tilespmem:$0x9720] =	vst v63  }
0x60: {  	_ =	swait.ge [sflag:s2], $0x800  }
0x61: {  	[sflag:s2] =	ssyncset.done $0x0  }
0x62: {  	p0 =	seq.s32 s20, $0x9000;
	s28 =	sadd.s32 $0x380, s21;
	[sflag:s2] =	ssyncadd.s32 $0xFFFFF800  }
0x63: {  	[tilespmem:s22], [sflag:$0x4] =	stream.indirect.gather [hbm4b:s5+s13], $0x10, s28, s13, $0xb8;
	[tilespmem:$0x9720] =	vst v63  }
.Ltmp2:
0x64: {  	_ = 	snop;
	(pc) =	sbr.rel @p0 .LBB2_4-.Ltmp2, $4  }
0x65: {  	_ =	swait.ge [sflag:s23], $0x800  }
0x66: {  	[sflag:s23] =	ssyncset.done $0x0  }
0x67: {  	s25 =	sadd.s32 $0x2B80, s21;
	s28 =	sadd.s32 $0x2B00, s21;
	[sflag:s23] =	ssyncadd.s32 $0xFFFFF800  }
0x68: {  	[spmem:s3] =	stream.indirect.scatter.add.f32 [tilespmem:s18], [sflag:$0x7], $0x10, s28, s13, $0xb8;
	[tilespmem:$0x9720] =	vst v63  }
0x69: {  	_ =	swait.ge [sflag:s26], $0x800  }
0x6a: {  	[sflag:s26] =	ssyncset.done $0x0  }
0x6b: {  	s28 =	sadd.s32 $0x400, s21;
	[sflag:s26] =	ssyncadd.s32 $0xFFFFF800  }
0x6c: {  	[tilespmem:s14], [sflag:$0x1] =	stream.indirect.gather [hbm4b:s5+s13], $0x10, s28, s13, $0xb8;
	[tilespmem:$0x9720] =	vst v63  }
0x6d: {  	_ =	swait.ge [sflag:s29], $0x800  }
0x6e: {  	[sflag:s29] =	ssyncset.done $0x0  }
0x6f: {  	[sflag:s29] =	ssyncadd.s32 $0xFFFFF800  }
0x70: {  	[spmem:s3] =	stream.indirect.scatter.add.f32 [tilespmem:s22], [sflag:$0x8], $0x10, s25, s13, $0xb8;
	[tilespmem:$0x9720] =	vst v63  }
.Ltmp3:
0x71: {  	_ = 	snop;
	(pc) =	sbr.rel .LBB2_2-.Ltmp3, $4  }
0x72: {  	_ =	swait.ge [sflag:s31], $0x800  }
0x73: {  	[sflag:s31] =	ssyncset.done $0x0  }
0x74: {  	s20 =	sadd.s32 $0x800, s20;
	s28 =	sadd.s32 $0x480, s21;
	[sflag:s31] =	ssyncadd.s32 $0xFFFFF800  }
0x75: {  	[tilespmem:s15], [sflag:$0x2] =	stream.indirect.gather [hbm4b:s5+s13], $0x10, s28, s13, $0xb8;
	[tilespmem:$0x9720] =	vst v63  }
.LBB2_5:
0x76: {  	_ =	sfence.sel $0x180000  }
0x77: {  	[bflag:$0x0] =	sbarrier.arrive $0xFFFF  }
0x78: {  	_ =	strace $0x9000004A  }
0x79: {  	s0 =	stileid.u32;
	[bflag:$0x2] =	sbarrier.arrive $0xFFFF  }
0x7a: {  	p0 =	sne.s32 s0, $0x0;
	s0 =	rddreg [dreg:$0x3]  }
0x7b: {  	s0 =	sadd.s32 @!p0 $0x100000, s0  }
0x7c: {  	[sflag:s0] =	ssyncadd.tile.s32 @!p0 $0x1;
	_ =	shalt  }
.Lfunc_end2:
_tile_overlayer_lowered:
.L_overlay_start_2:
0x7d: {  	(tag) =	ssettag $0x2  }
0x7e: {  	s0 =	rddreg [dreg:$0x0];
	s2 =	stileid.u32  }
0x7f: {  	s1 =	rddreg [dreg:$0x1];
	p0 =	sne.s32 s2, $0x0  }
0x80: {  	s3 =	rddreg [dreg:$0x2];
	[bflag:$0x3] =	sbarrier.arrive $0xFFFF;
	s2 =	simm.s32 @!p0 $0x1C09  }
0x81: {  	[timem:s3], [sflag:s2] =	dma.local @!p0 [hbm:s0], s1  }
0x82: {  	s0 =	simm.s32 @!p0 $0x9  }
0x83: {  	_ =	swait.ge @!p0 [sflag:s0], s1  }
0x84: {  	s1 =	ssub.s32 @!p0 $0x0, s1;
	[sflag:s0] =	ssyncset.done @!p0 $0x0  }
0x85: {  	[sflag:s0] =	ssyncadd.s32 @!p0 s1  }
0x86: {  	[bflag:$0x3] =	sbarrier.arrive $0xFFFF  }
0x87: {  	_ =	shalt  }

// kernel: kernel.7.cloned.1.call-start
scs
__scs_entry_jumppad:
0x0: {  	(pc) =	sbr.rel $0x88, $3  }
0x1: {  	(tag) =	ssettag $0x0;
	lr =	simm.s32 $0x1  }
0x2: {  	[smem:$0x3F97] =	sst lr;
	_ =	strace $0xD0000000  }
0x3: {  	_ = 	snop  }
0x4: {  	_ = 	snop  }
0x5: {  	_ = 	snop  }
0x6: {  	_ = 	snop  }
0x7: {  	_ = 	snop  }
__scs_overlays_trampoline_lowered:
0x8: {  	[smem:$0x3FA6] =	sst s0  }
0x9: {  	[smem:$0x3FA7] =	sst s1  }
0xa: {  	[smem:$0x3FA8] =	sst s2  }
0xb: {  	[smem:$0x3FA9] =	sst s3  }
0xc: {  	[smem:$0x3FAA] =	sst s4  }
0xd: {  	[smem:$0x3FAB] =	sst s5  }
0xe: {  	[smem:$0x3FAC] =	sst s6  }
0xf: {  	[smem:$0x3FAD] =	sst s7  }
0x10: {  	[smem:$0x3FAE] =	sst s8  }
0x11: {  	[smem:$0x3FAF] =	sst s9;
	s0 =	simm.s32 @!p0 $0x0  }
0x12: {  	s1 =	sld [smem:$0x3F95];
	s0 =	simm.s32 @p0 $0x1  }
0x13: {  	[smem:$0x3FB0] =	sst s0;
	s0 =	simm.s32 @!p1 $0x0  }
0x14: {  	s2 =	sld [smem:$0x3F94];
	s0 =	simm.s32 @p1 $0x1  }
0x15: {  	[smem:$0x3FB1] =	sst s0;
	s0 =	simm.s32 @!p2 $0x0  }
0x16: {  	s3 =	sld [smem:$0x3FDB];
	s0 =	simm.s32 @p2 $0x1  }
0x17: {  	s4 =	simm.s32 $0x1BF5;
	[smem:$0x3FB3] =	sst s0  }
0x18: {  	s0 =	sld [smem:$0x3F96];
	_ =	swait.ge [sflag:s4], $0x0  }
0x19: {  	s7 =	sld [smem:$0x3F97]  }
0x1a: {  	s8 =	sadd.s32 $0xFFFFE003, lr  }
0x1b: {  	s9 =	sadd.s32 $0xFFFFFEF7, lr;
	s5 =	simm.s32 $0xFFFFFFFF;
	p2 =	slt.u32 s8, $0xFFFFF086  }
0x1c: {  	p1 =	slt.u32 s9, $0xF7A;
	s5 =	simm.s32 @!p2 $0x0  }
0x1d: {  	s5 =	simm.s32 @p1 $0x1;
	p0 =	seq.s32 s7, s2  }
0x1e: {  	s7 =	smul.u32 @!p0 $0xF7A, s2;
	p2 =	seq.s32 @!p0 s5, $0x0  }
0x1f: {  	s9 =	smul.u32 $0xF7A, s1;
	s8 =	simm.s32 @!p0 $0x1BF5;
	p2 =	por !p2, p0  }
0x20: {  	[sflag:s8] =	ssyncset.s32 @!p0 $0xFFFFF086;
	s6 =	sadd.s32 @!p0 s3, s7;
	s7 =	simm.s32 @!p0 $0x108  }
0x21: {  	s3 =	sadd.s32 s3, s9;
	s6 =	sadd.s32 @!p0 $0x88, s6;
	s7 =	simm.s32 @p2 $0x1082  }
0x22: {  	[simem:s7], [sflag:s8] =	dma.local @!p0 [hbm:s6], $0xF7A  }
0x23: {  	s9 =	sor.u32 $0xD0000000, s2;
	s6 =	simm.s32 $0x108;
	_ =	swait.ge @!p0 [sflag:s8], $0x0  }
0x24: {  	s3 =	sadd.s32 $0x88, s3;
	s6 =	simm.s32 @!p1 $0x1082;
	[sflag:s4] =	ssyncset.s32 $0xFFFFF086  }
0x25: {  	[simem:s6], [sflag:s4] =	dma.local [hbm:s3], $0xF7A  }
0x26: {  	[smem:$0x3F97] =	sst s1;
	(tag) =	ssettag s2;
	_ =	strace s9  }
0x27: {  	s1 =	sld [smem:$0x3FA7]  }
0x28: {  	s2 =	sld [smem:$0x3FA8]  }
0x29: {  	s4 =	sld [smem:$0x3FAA]  }
0x2a: {  	p0 =	seq.s32 s5, $0x0;
	s5 =	sld [smem:$0x3FAB]  }
0x2b: {  	s6 =	sld [smem:$0x3FAC]  }
0x2c: {  	s7 =	sld [smem:$0x3FAD]  }
0x2d: {  	s3 =	simm.s32 $0x108;
	s8 =	sld [smem:$0x3FAE]  }
0x2e: {  	s3 =	simm.s32 @!p0 $0x1082;
	s9 =	sld [smem:$0x3FAF]  }
0x2f: {  	lr =	sadd.s32 s0, s3;
	s0 =	sld [smem:$0x3FA6]  }
0x30: {  	s3 =	sld [smem:$0x3FA9]  }
0x31: {  	[smem:$0x3FB2] =	sst s10  }
0x32: {  	s10 =	sld [smem:$0x3FB0];
	_ =	sdelay $0x3  }
0x33: {  	p0 =	seq.s32 s10, $0x1;
	s10 =	sld [smem:$0x3FB2];
	_ =	sdelay $0x3  }
0x34: {  	[smem:$0x3FB2] =	sst s10  }
0x35: {  	s10 =	sld [smem:$0x3FB1];
	_ =	sdelay $0x3  }
0x36: {  	p1 =	seq.s32 s10, $0x1;
	s10 =	sld [smem:$0x3FB2];
	_ =	sdelay $0x3  }
0x37: {  	[smem:$0x3FB2] =	sst s10  }
0x38: {  	s10 =	sld [smem:$0x3FB3]  }
0x39: {  	_ = 	snop;
	(pc) =	sbr.ind lr, $3  }
0x3a: {  	_ = 	snop  }
0x3b: {  	_ = 	snop  }
0x3c: {  	p2 =	seq.s32 s10, $0x1;
	s10 =	sld [smem:$0x3FB2]  }
0x3d: {  	_ =	shalt  }
0x3e: {  	_ =	shalt  }
0x3f: {  	_ =	shalt  }
0x40: {  	_ =	shalt  }
0x41: {  	_ =	shalt  }
0x42: {  	_ =	shalt  }
0x43: {  	_ =	shalt  }
0x44: {  	_ =	shalt  }
0x45: {  	_ =	shalt  }
0x46: {  	_ =	shalt  }
0x47: {  	_ =	shalt  }
0x48: {  	_ =	shalt  }
0x49: {  	_ =	shalt  }
0x4a: {  	_ =	shalt  }
0x4b: {  	_ =	shalt  }
0x4c: {  	_ =	shalt  }
0x4d: {  	_ =	shalt  }
0x4e: {  	_ =	shalt  }
0x4f: {  	_ =	shalt  }
0x50: {  	_ =	shalt  }
0x51: {  	_ =	shalt  }
0x52: {  	_ =	shalt  }
0x53: {  	_ =	shalt  }
0x54: {  	_ =	shalt  }
0x55: {  	_ =	shalt  }
0x56: {  	_ =	shalt  }
0x57: {  	_ =	shalt  }
0x58: {  	_ =	shalt  }
0x59: {  	_ =	shalt  }
0x5a: {  	_ =	shalt  }
0x5b: {  	_ =	shalt  }
0x5c: {  	_ =	shalt  }
0x5d: {  	_ =	shalt  }
0x5e: {  	_ =	shalt  }
0x5f: {  	_ =	shalt  }
0x60: {  	_ =	shalt  }
0x61: {  	_ =	shalt  }
0x62: {  	_ =	shalt  }
0x63: {  	_ =	shalt  }
0x64: {  	_ =	shalt  }
0x65: {  	_ =	shalt  }
0x66: {  	_ =	shalt  }
0x67: {  	_ =	shalt  }
0x68: {  	_ =	shalt  }
0x69: {  	_ =	shalt  }
0x6a: {  	_ =	shalt  }
0x6b: {  	_ =	shalt  }
0x6c: {  	_ =	shalt  }
0x6d: {  	_ =	shalt  }
0x6e: {  	_ =	shalt  }
0x6f: {  	_ =	shalt  }
0x70: {  	_ =	shalt  }
0x71: {  	_ =	shalt  }
0x72: {  	_ =	shalt  }
0x73: {  	_ =	shalt  }
0x74: {  	_ =	shalt  }
0x75: {  	_ =	shalt  }
0x76: {  	_ =	shalt  }
0x77: {  	_ =	shalt  }
0x78: {  	_ =	shalt  }
0x79: {  	_ =	shalt  }
0x7a: {  	_ =	shalt  }
0x7b: {  	_ =	shalt  }
0x7c: {  	_ =	shalt  }
0x7d: {  	_ =	shalt  }
0x7e: {  	_ =	shalt  }
0x7f: {  	_ =	shalt  }
0x80: {  	_ =	shalt  }
0x81: {  	_ =	shalt  }
0x82: {  	_ =	shalt  }
0x83: {  	_ =	shalt  }
0x84: {  	_ =	shalt  }
0x85: {  	_ =	shalt  }
0x86: {  	_ =	shalt  }
0x87: {  	_ =	shalt  }
.Lfunc_end0:
.L_simem_size_0:
called_computation_lowered:
.L_overlay_start_0:
0x88: {  	s2 =	sld [smem:$0x3FD9]  }
0x89: {  	s3 =	sld [smem:$0x3FFE];
	_ =	sdelay $0x1  }
0x8a: {  	s1 =	srdreg.scid  }
0x8b: {  	s0 =	sand.u32 $0x1, s1  }
0x8c: {  	s17 =	sshll.u32 s0, $0xA;
	s2 =	sadd.s32 s3, s2  }
0x8d: {  	s2 =	sadd.s32 s2, s17  }
0x8e: {  	[smem:$0x3FBE] =	sst s2  }
0x8f: {  	_ = 	snop  }
0x90: {  	s2 =	sld [smem:$0x3FD0];
	(tm) =	ssettm $0x1  }
0x91: {  	s18 =	sld [smem:$0x3FFB];
	_ =	sdelay $0x3  }
0x92: {  	_ =	strace s18  }
0x93: {  	s3 =	sld [smem:$0x3FFC];
	_ =	sdelay $0x3  }
0x94: {  	_ =	strace s3  }
0x95: {  	s3 =	sld [smem:$0x3FFD];
	_ =	sdelay $0x3  }
0x96: {  	_ =	strace s3  }
0x97: {  	_ =	strace $0x8FFFFFFF  }
0x98: {  	s19 =	sld [smem:$0x3FDB];
	_ =	sdelay $0x1  }
0x99: {  	s4 =	simm.s32 $_scs_section_size  }
0x9a: {  	s5 =	simm.s32 $_size__tile_overlayer_lowered;
	s6 =	simm.s32 $_tile_overlayer_lowered  }
0x9b: {  	s22 =	simm.s32 $0x1BFF;
	s21 =	sshll.u32 s6, $0x1;
	s3 =	sadd.s32 s4, s19  }
0x9c: {  	s7 =	simm.s32 $0x0;
	s20 =	sshll.u32 s5, $0x1;
	s5 =	sadd.s32 s21, s3  }
0x9d: {  	[timem:s7], [sflag:s22] =	dma.local [hbm:s5], s20  }
0x9e: {  	_ =	swait.ge [sflag:s22], s20  }
0x9f: {  	s4 =	ssub.s32 $0x0, s20;
	[sflag:s22] =	ssyncset.done $0x0  }
0xa0: {  	[sflag:s22] =	ssyncadd.s32 s4;
	_ =	sdelay $0x1  }
0xa1: {  	s23 =	simm.s32 $0x1B8B  }
0xa2: {  	_ =	swait.ge [sflag:s23], $0x1  }
0xa3: {  	[sflag:s23] =	ssyncset.done $0x0  }
0xa4: {  	s25 =	simm.s32 $0x1B8E;
	s24 =	sld [smem:$0x3FFE];
	[sflag:s23] =	ssyncadd.s32 $0xFFFFFFFF  }
0xa5: {  	s26 =	simm.s32 $execute0_lowered;
	[smem:$0x3FD2] =	sst s25  }
0xa6: {  	s5 =	sshll.u32 s26, $0x1;
	_ =	strace $0x80000046;
	[dreg:$0x1] =	wrdreg $0xFFFFFFFF  }
0xa7: {  	s28 =	simm.s32 $_size_execute0_lowered;
	s3 =	sadd.s32 s3, s5;
	[dreg:$0x0] =	wrdreg $0x0  }
0xa8: {  	s5 =	sshll.u32 s28, $0x1;
	[dreg:$0x2] =	wrdreg s3  }
0xa9: {  	[dreg:$0x3] =	wrdreg s5  }
0xaa: {  	[dreg:$0x4] =	wrdreg $0xC0  }
0xab: {  	_ =	task [dreg:s7], $0x5FFFF  }
0xac: {  	[dreg:$0x1] =	wrdreg $0xFFFFFFFF  }
0xad: {  	[dreg:$0x0] =	wrdreg $0x60  }
0xae: {  	[dreg:$0x2] =	wrdreg s24  }
0xaf: {  	[dreg:$0x3] =	wrdreg s2  }
0xb0: {  	[dreg:$0x4] =	wrdreg $0x97000  }
0xb1: {  	[dreg:$0x5] =	wrdreg $0x9  }
0xb2: {  	_ =	task.clear_ibuf [dreg:s7], $0x6FFFF;
	_ =	strace $0x90000046  }
0xb3: {  	s29 =	simm.s32 $0x9;
	_ =	strace $0x80000048  }
0xb4: {  	_ =	swait.ge [sflag:s29], $0x1  }
0xb5: {  	[sflag:s29] =	ssyncadd.s32 $0xFFFFFFFF  }
0xb6: {  	_ =	strace $0x90000048  }
0xb7: {  	_ =	sfence  }
0xb8: {  	s30 =	sld [smem:$0x0];
	_ =	sdelay $0x2  }
0xb9: {  	s31 =	sshll.u32 s1, $0xD;
	s1 =	sshrl.u32 s1, $0x2  }
0xba: {  	s3 =	sand.u32 $0x4000, s31;
	s1 =	sadd.s32 s1, s30  }
0xbb: {  	s0 =	sor.u32 s3, s0;
	s1 =	sshll.u32 s1, $0x11  }
0xbc: {  	s0 =	sor.u32 s1, s0  }
0xbd: {  	s0 =	sadd.s32 $0x8F2B, s0  }
0xbe: {  	[sflag:s0] =	ssyncadd.remote.s32 $0x1  }
0xbf: {  	_ =	sfence.sel $0xFFFF  }
0xc0: {  	[dreg:$0x0] =	wrdreg $0xFFFFFFFF;
	(pc) =	sbr.abs _section_cstart, $3  }
0xc1: {  	[dreg:$0x1] =	wrdreg $0xFFFFFFFF  }
0xc2: {  	_ =	task.clear_ibuf [dreg:s7], $0x2FFFF;
	_ =	strace $0x9FFFFFFF  }
0xc3: {  	(tm) =	ssettm $0x7FFFFFFF  }
tec
execute0_lowered:
.L_overlay_start_1:
0x0: {  	(tag) =	ssettag $0x1  }
0x1: {  	s6 =	rddreg [dreg:$0x0]  }
0x2: {  	s1 =	rddreg [dreg:$0x1]  }
0x3: {  	s2 =	rddreg [dreg:$0x2];
	s3 =	srdreg.scid  }
0x4: {  	s0 =	rddreg [dreg:$0x3];
	s4 =	simm.s32 $0x0;
	s13 =	simm.s32 $0x80  }
0x5: {  	s14 =	simm.s32 $0x4F00;
	s15 =	simm.s32 $0x1;
	s7 =	sand.u32 $0x1, s3  }
0x6: {  	s3 =	stileid.u32;
	[smem:$0x7FF] =	sst s4;
	s5 =	sshll.u32 s7, $0x4  }
0x7: {  	_ =	strace $0x80000047;
	s9 =	smul.u32 $0x2D000, s7;
	s7 =	ssub.s32 $0x2, s7  }
0x8: {  	s11 =	smul.u32 $0x16800, s3;
	s31 =	sshll.u32 s3, $0x6;
	s5 =	sor.u32 s3, s5  }
0x9: {  	s10 =	sshrl.u32 s7, $0x1;
	s8 =	smul.u32 $0x4F0, s5;
	s5 =	sadd.s32 $0x2000, s6  }
0xa: {  	s9 =	sadd.s32 s9, s6;
	s10 =	ssub.s32 s7, s10;
	s12 =	sadd.s32 s11, s2  }
0xb: {  	s17 =	sshrl.u32 s11, $0x3;
	s11 =	simm.s32 $0x2;
	s16 =	sadd.s32 $0x53C00, s9  }
0xc: {  	s9 =	smax.u32 s10, $0x1;
	s10 =	sshrl.u32 s12, $0x3;
	s12 =	simm.s32 $0x2780  }
0xd: {  	s8 =	sadd.s32 s8, s6;
	s6 =	sor.u32 $0x1C02, s31;
	s16 =	sadd.s32 s17, s16  }
0xe: {  	s17 =	simm.s32 $0x0;
	s7 =	sadd.s32 $0x40000, s8;
	s8 =	sadd.s32 $0x49E00, s8  }
.LBB2_1:
0xf: {  	[spmem:s10], [sflag:s6] =	dma.local [hbm:s1], $0x2D00  }
0x10: {  	_ =	swait.ge [sflag:s11], $0x2D00  }
0x11: {  	[sflag:s11] =	ssyncset.done $0x0  }
0x12: {  	[sflag:s11] =	ssyncadd.s32 $0xFFFFD300  }
0x13: {  	[tilespmem:s4], [sflag:$0x2] =	stream.linear.gather [hbm4b:s7+s4], $0x2780, $0x38;
	[tilespmem:$0x1FF00] =	vst v63  }
0x14: {  	_ =	swait.ge [sflag:s11], $0x2780  }
0x15: {  	[sflag:s11] =	ssyncset.done $0x0  }
0x16: {  	[sflag:s11] =	ssyncadd.s32 $0xFFFFD880  }
0x17: {  	[tilespmem:s12], [sflag:$0x2] =	stream.linear.gather [hbm4b:s8+s4], $0x2780, $0x38;
	[tilespmem:$0x1FF00] =	vst v63  }
0x18: {  	_ =	swait.ge [sflag:s11], $0x2780  }
0x19: {  	[sflag:s11] =	ssyncset.done $0x0  }
0x1a: {  	[sflag:s11] =	ssyncadd.s32 $0xFFFFD880  }
0x1b: {  	s18 =	simm.s32 $0x0;
	[bflag:$0x0] =	sbarrier.arrive $0xFFFF  }
0x1c: {  	[tilespmem:s14], [sflag:$0x1] =	stream.indirect.gather [hbm4b:s5+s13], $0x90, s18, s13, $0xb8;
	[tilespmem:$0x1FF00] =	vst v63  }
0x1d: {  	_ =	swait.ge [sflag:s15], $0x4800  }
0x1e: {  	[sflag:s15] =	ssyncset.done $0x0  }
0x1f: {  	s31 =	simm.s32 $0x2780;
	[sflag:s15] =	ssyncadd.s32 $0xFFFFB800  }
0x20: {  	[spmem:s2] =	stream.indirect.scatter.add.f32 [tilespmem:s14], [sflag:$0x2], $0x90, s31, s13, $0xb8;
	[tilespmem:$0x1FF00] =	vst v63  }
0x21: {  	_ =	swait.ge [sflag:s11], $0x4800  }
0x22: {  	s19 =	simm.s32 $0x400;
	s18 =	simm.s32 $0x200;
	[sflag:s11] =	ssyncset.done $0x0  }
.LBB2_2:
0x23: {  	s20 =	sshra.s32 s18, $0x2  }
0x24: {  	[sflag:s11] =	ssyncadd.s32 $0xFFFFB800;
	s18 =	smov.u32 s19;
	s21 =	sadd.s32 $0x200, s19  }
0x25: {  	[tilespmem:s14], [sflag:$0x1] =	stream.indirect.gather [hbm4b:s5+s13], $0x90, s20, s13, $0xb8;
	[tilespmem:$0x1FF00] =	vst v63  }
0x26: {  	p0 =	sne.s32 s19, $0x9C00;
	_ =	swait.ge [sflag:s15], $0x4800  }
.Ltmp0:
0x27: {  	[sflag:s15] =	ssyncset.done $0x0;
	(pc) =	sbr.rel @p0 .LBB2_2-.Ltmp0, $4  }
0x28: {  	s19 =	sadd.s32 $0x2780, s20;
	[sflag:s15] =	ssyncadd.s32 $0xFFFFB800  }
0x29: {  	[spmem:s2] =	stream.indirect.scatter.add.f32 [tilespmem:s14], [sflag:$0x2], $0x90, s19, s13, $0xb8;
	[tilespmem:$0x1FF00] =	vst v63  }
0x2a: {  	_ =	swait.ge [sflag:s11], $0x4800  }
0x2b: {  	s19 =	smov.u32 s21;
	[sflag:s11] =	ssyncset.done $0x0  }
0x2c: {  	s18 =	sshra.s32 s18, $0x2;
	[sflag:s11] =	ssyncadd.s32 $0xFFFFB800  }
0x2d: {  	[tilespmem:s14], [sflag:$0x1] =	stream.indirect.gather [hbm4b:s5+s13], $0x90, s18, s13, $0xb8;
	[tilespmem:$0x1FF00] =	vst v63  }
0x2e: {  	_ =	swait.ge [sflag:s15], $0x4800  }
0x2f: {  	[sflag:s15] =	ssyncset.done $0x0  }
0x30: {  	s18 =	sadd.s32 $0x2780, s18;
	[sflag:s15] =	ssyncadd.s32 $0xFFFFB800  }
0x31: {  	[spmem:s2] =	stream.indirect.scatter.add.f32 [tilespmem:s14], [sflag:$0x2], $0x90, s18, s13, $0xb8;
	[tilespmem:$0x1FF00] =	vst v63  }
0x32: {  	_ =	swait.ge [sflag:s11], $0x4800  }
0x33: {  	s17 =	sadd.s32 $0x1, s17;
	[sflag:s11] =	ssyncset.done $0x0  }
0x34: {  	p0 =	sne.s32 s17, s9;
	[sflag:s11] =	ssyncadd.s32 $0xFFFFB800  }
.Ltmp1:
0x35: {  	[bflag:$0x0] =	sbarrier.arrive $0xFFFF;
	(pc) =	sbr.rel @p0 .LBB2_1-.Ltmp1, $4  }
0x36: {  	[hbm:s16], [sflag:s6] =	dma.local [spmem:s10], $0x2D00  }
0x37: {  	_ =	swait.ge [sflag:s11], $0x2D00  }
0x38: {  	[sflag:s11] =	ssyncset.done $0x0  }
0x39: {  	[sflag:s11] =	ssyncadd.s32 $0xFFFFD300  }
0x3a: {  	_ =	sfence.sel $0x180000  }
0x3b: {  	[bflag:$0x0] =	sbarrier.arrive $0xFFFF  }
0x3c: {  	p0 =	sne.s32 s3, $0x0;
	_ =	strace $0x90000047  }
0x3d: {  	s0 =	sadd.s32 @!p0 $0x100000, s0;
	[bflag:$0x2] =	sbarrier.arrive $0xFFFF  }
0x3e: {  	[sflag:s0] =	ssyncadd.tile.s32 @!p0 $0x1;
	_ =	shalt  }
.Lfunc_end2:
_tile_overlayer_lowered:
.L_overlay_start_2:
0x3f: {  	(tag) =	ssettag $0x2  }
0x40: {  	s0 =	rddreg [dreg:$0x0];
	s2 =	stileid.u32  }
0x41: {  	s1 =	rddreg [dreg:$0x1];
	p0 =	sne.s32 s2, $0x0  }
0x42: {  	s3 =	rddreg [dreg:$0x2];
	[bflag:$0x3] =	sbarrier.arrive $0xFFFF;
	s2 =	simm.s32 @!p0 $0x1C02  }
0x43: {  	[timem:s3], [sflag:s2] =	dma.local @!p0 [hbm:s0], s1  }
0x44: {  	s0 =	simm.s32 @!p0 $0x2  }
0x45: {  	_ =	swait.ge @!p0 [sflag:s0], s1  }
0x46: {  	s1 =	ssub.s32 @!p0 $0x0, s1;
	[sflag:s0] =	ssyncset.done @!p0 $0x0  }
0x47: {  	[sflag:s0] =	ssyncadd.s32 @!p0 s1  }
0x48: {  	[bflag:$0x3] =	sbarrier.arrive $0xFFFF  }
0x49: {  	_ =	shalt  }

</sc_bundles>
